<compile_context>
chip_gen: v7x
topology: tpu7x:2x2x1
jax: 0.10.2.dev20260603
libtpu: 0.0.44.dev20260713+nightly
codegen_flags: <defaults>
</compile_context>

<pallas_src>
import functools

import jax
import jax.numpy as jnp
from jax import lax
from jax.experimental import pallas as pl
from jax.experimental.pallas import tpu as pltpu
from jax.experimental.pallas import tpu_sc as plsc

NC = 2
NS = 16
L = 16
NW = NC * NS
B = 16384
D = 128
BPW = B // NW
CH = 64
NCHUNK = BPW // CH
RU = 2


def _sc_body(users, items, w_u, w_i, w_uc, w_ic,
             out_u, out_i, out_cu, out_ci, out_x,
             idx_u, idx_i,
             buf_u0, buf_i0, buf_uc0, buf_ic0,
             buf_u1, buf_i1, buf_uc1, buf_ic1,
             xbuf, *sems):
    wid = lax.axis_index("s") * NC + lax.axis_index("c")
    base = wid * BPW
    pltpu.sync_copy(users.at[pl.ds(base, BPW)], idx_u)
    pltpu.sync_copy(items.at[pl.ds(base, BPW)], idx_i)

    bufs = [(buf_u0, buf_i0, buf_uc0, buf_ic0),
            (buf_u1, buf_i1, buf_uc1, buf_ic1)]
    sg = [sems[0:4], sems[4:8]]
    sw = [sems[8:12], sems[12:16]]
    outs = (out_u, out_i, out_cu, out_ci)

    def fire_gathers(c, s):
        iu = idx_u.at[pl.ds(c * CH, CH)]
        ii = idx_i.at[pl.ds(c * CH, CH)]
        bu, bi, buc, bic = bufs[s]
        pltpu.async_copy(w_u.at[iu], bu, sg[s][0])
        pltpu.async_copy(w_i.at[ii], bi, sg[s][1])
        pltpu.async_copy(w_uc.at[iu], buc, sg[s][2])
        pltpu.async_copy(w_ic.at[ii], bic, sg[s][3])

    def wait_gather(s, t):
        pltpu.make_async_copy(w_u.at[idx_u.at[pl.ds(0, CH)]],
                              bufs[s][t], sg[s][t]).wait()

    def fire_wb(c, s, t):
        off = base + c * CH
        pltpu.async_copy(bufs[s][t], outs[t].at[pl.ds(off, CH)], sw[s][t])

    def wait_wb(s, t):
        pltpu.make_async_copy(bufs[s][t],
                              outs[t].at[pl.ds(base, CH)], sw[s][t]).wait()

    def compute_cross(c, s):
        buc, bic = bufs[s][2], bufs[s][3]

        def grp(g, vec):
            lanes = lax.iota(jnp.int32, L)
            lane_base = (g % 8) * RU
            for k in range(RU):
                r = g * RU + k
                acc = buc[r, pl.ds(0, L)] * bic[r, pl.ds(0, L)]
                for j in range(1, D // L):
                    acc = acc + (buc[r, pl.ds(j * L, L)]
                                 * bic[r, pl.ds(j * L, L)])
                vec = jnp.where(lanes == lane_base + k, jnp.sum(acc), vec)
            xbuf[pl.ds(c * CH + (g // 8) * L, L)] = vec
            return vec * jnp.where(g % 8 == 7, 0.0, 1.0)

        lax.fori_loop(0, CH // RU, grp, jnp.zeros((L,), jnp.float32))

    fire_gathers(0, 0)
    fire_gathers(1, 1)
    for t in (2, 3):
        wait_gather(0, t)
        fire_wb(0, 0, t)
    compute_cross(0, 0)
    for t in (0, 1):
        wait_gather(0, t)
        fire_wb(0, 0, t)

    def pair(it, carry):
        c0 = 2 * it
        c1 = c0 + 1
        for t in range(4):
            wait_wb(0, t)
        fire_gathers(c0, 0)
        for t in (2, 3):
            wait_gather(1, t)
            fire_wb(c0 - 1, 1, t)
        compute_cross(c0 - 1, 1)
        for t in (0, 1):
            wait_gather(1, t)
            fire_wb(c0 - 1, 1, t)
        for t in range(4):
            wait_wb(1, t)
        fire_gathers(c1, 1)
        for t in (2, 3):
            wait_gather(0, t)
            fire_wb(c0, 0, t)
        compute_cross(c0, 0)
        for t in (0, 1):
            wait_gather(0, t)
            fire_wb(c0, 0, t)
        return carry

    lax.fori_loop(1, NCHUNK // 2, pair, 0)

    for t in (2, 3):
        wait_gather(1, t)
        fire_wb(NCHUNK - 1, 1, t)
    compute_cross(NCHUNK - 1, 1)
    for t in (0, 1):
        wait_gather(1, t)
        fire_wb(NCHUNK - 1, 1, t)
    for s in range(2):
        for t in range(4):
            wait_wb(s, t)
    pltpu.sync_copy(xbuf, out_x.at[pl.ds(base, BPW)])


_mesh = plsc.VectorSubcoreMesh(core_axis_name="c", subcore_axis_name="s")

_sc_call = functools.partial(
    pl.kernel,
    out_type=(
        jax.ShapeDtypeStruct((B, D), jnp.float32),
        jax.ShapeDtypeStruct((B, D), jnp.float32),
        jax.ShapeDtypeStruct((B, D), jnp.float32),
        jax.ShapeDtypeStruct((B, D), jnp.float32),
        jax.ShapeDtypeStruct((B,), jnp.float32),
    ),
    mesh=_mesh,
    compiler_params=pltpu.CompilerParams(
        needs_layout_passes=False, use_tc_tiling_on_sc=False),
    scratch_types=(
        [pltpu.VMEM((BPW,), jnp.int32)] * 2
        + [pltpu.VMEM((CH, D), jnp.float32)] * 8
        + [pltpu.VMEM((BPW,), jnp.float32)]
        + [pltpu.SemaphoreType.DMA] * 16
    ),
)(_sc_body)


@jax.jit
def kernel(users, items, W_user, W_item, W_user_cross, W_item_cross):
    out_u, out_i, out_cu, out_ci, out_x = _sc_call(
        users, items, W_user, W_item, W_user_cross, W_item_cross)
    return out_u, out_i, out_cu, out_ci, out_x.reshape(B, 1)

# --- scband reference (transcript-rebuilt; emitter-appended) ---
"""Pipeline reference for scband-embed-model-8993661518603 (READ-ONLY COPY).

The authoritative reference and input builder live on the scoring server;
editing this copy changes nothing except your own understanding.
"""

import jax, jax.numpy as jnp
import numpy as np

CNT_USERS = 100000
CNT_ITEMS = 100000
USER_EMBED = 128
ITEM_EMBED = 128
CROSSED_EMBED = 128
BATCH = 16384


def setup_inputs(seed: int = 0) -> dict:
    key = jax.random.key(seed)
    ks = jax.random.split(key, 6)
    users = jax.random.randint(ks[0], (BATCH,), 0, CNT_USERS, dtype=jnp.int64 if jax.config.jax_enable_x64 else jnp.int32)
    items = jax.random.randint(ks[1], (BATCH,), 0, CNT_ITEMS, dtype=jnp.int64 if jax.config.jax_enable_x64 else jnp.int32)
    W_user = jax.random.normal(ks[2], (CNT_USERS, USER_EMBED), dtype=jnp.float32)
    W_item = jax.random.normal(ks[3], (CNT_ITEMS, ITEM_EMBED), dtype=jnp.float32)
    W_user_cross = jax.random.normal(ks[4], (CNT_USERS, CROSSED_EMBED), dtype=jnp.float32)
    W_item_cross = jax.random.normal(ks[5], (CNT_ITEMS, CROSSED_EMBED), dtype=jnp.float32)
    return {
        "users": users,
        "items": items,
        "W_user": W_user,
        "W_item": W_item,
        "W_user_cross": W_user_cross,
        "W_item_cross": W_item_cross,
    }


def reference(users, items, W_user, W_item, W_user_cross, W_item_cross):
    # users_to_embed = self.user_embed(users).squeeze()
    users_to_embed = jnp.take(W_user, users, axis=0)
    items_to_embed = jnp.take(W_item, items, axis=0)
    cross_users = jnp.take(W_user_cross, users, axis=0)
    cross_items = jnp.take(W_item_cross, items, axis=0)
    # .squeeze() is a no-op for [B, d] tensors with B>1 and d>1
    cross = jnp.sum(cross_users * cross_items, axis=-1)[:, None]
    return (users_to_embed, items_to_embed, cross_users, cross_items, cross)

if __name__ == "__main__":
    import jax
    _d = setup_inputs()
    print(jax.jit(kernel)(*tuple(_d.values())))

</pallas_src>

<mosaic_0001>
#map = affine_map<(d0, d1) -> (0)>
#map1 = affine_map<(d0, d1) -> (0, 0)>
module attributes {stable_mosaic.version = 14 : i64} {
  func.func @_sc_body(%arg0: i32, %arg1: i32, %arg2: memref<16384xi32, #tpu.memory_space<hbm>>, %arg3: memref<16384xi32, #tpu.memory_space<hbm>>, %arg4: memref<100000x128xf32, #tpu.memory_space<hbm>>, %arg5: memref<100000x128xf32, #tpu.memory_space<hbm>>, %arg6: memref<100000x128xf32, #tpu.memory_space<hbm>>, %arg7: memref<100000x128xf32, #tpu.memory_space<hbm>>, %arg8: memref<16384x128xf32, #tpu.memory_space<hbm>>, %arg9: memref<16384x128xf32, #tpu.memory_space<hbm>>, %arg10: memref<16384x128xf32, #tpu.memory_space<hbm>>, %arg11: memref<16384x128xf32, #tpu.memory_space<hbm>>, %arg12: memref<16384xf32, #tpu.memory_space<hbm>>, %arg13: memref<512xi32, #tpu.memory_space<vmem>>, %arg14: memref<512xi32, #tpu.memory_space<vmem>>, %arg15: memref<64x128xf32, #tpu.memory_space<vmem>>, %arg16: memref<64x128xf32, #tpu.memory_space<vmem>>, %arg17: memref<64x128xf32, #tpu.memory_space<vmem>>, %arg18: memref<64x128xf32, #tpu.memory_space<vmem>>, %arg19: memref<64x128xf32, #tpu.memory_space<vmem>>, %arg20: memref<64x128xf32, #tpu.memory_space<vmem>>, %arg21: memref<64x128xf32, #tpu.memory_space<vmem>>, %arg22: memref<64x128xf32, #tpu.memory_space<vmem>>, %arg23: memref<512xf32, #tpu.memory_space<vmem>>, %arg24: memref<!tpu.dma_semaphore, #tpu.memory_space<semaphore_mem>>, %arg25: memref<!tpu.dma_semaphore, #tpu.memory_space<semaphore_mem>>, %arg26: memref<!tpu.dma_semaphore, #tpu.memory_space<semaphore_mem>>, %arg27: memref<!tpu.dma_semaphore, #tpu.memory_space<semaphore_mem>>, %arg28: memref<!tpu.dma_semaphore, #tpu.memory_space<semaphore_mem>>, %arg29: memref<!tpu.dma_semaphore, #tpu.memory_space<semaphore_mem>>, %arg30: memref<!tpu.dma_semaphore, #tpu.memory_space<semaphore_mem>>, %arg31: memref<!tpu.dma_semaphore, #tpu.memory_space<semaphore_mem>>, %arg32: memref<!tpu.dma_semaphore, #tpu.memory_space<semaphore_mem>>, %arg33: memref<!tpu.dma_semaphore, #tpu.memory_space<semaphore_mem>>, %arg34: memref<!tpu.dma_semaphore, #tpu.memory_space<semaphore_mem>>, %arg35: memref<!tpu.dma_semaphore, #tpu.memory_space<semaphore_mem>>, %arg36: memref<!tpu.dma_semaphore, #tpu.memory_space<semaphore_mem>>, %arg37: memref<!tpu.dma_semaphore, #tpu.memory_space<semaphore_mem>>, %arg38: memref<!tpu.dma_semaphore, #tpu.memory_space<semaphore_mem>>, %arg39: memref<!tpu.dma_semaphore, #tpu.memory_space<semaphore_mem>>) attributes {dimension_semantics = [#tpu.dimension_semantics<core_parallel>, #tpu.dimension_semantics<subcore_parallel>], iteration_bounds = array<i64: 2, 16>, scalar_prefetch = 0 : i64, scratch_operands = 27 : i64, tpu.core_type = #tpu.core_type<sc_vector_subcore>, window_params = [{transform_indices = #map}, {transform_indices = #map}, {transform_indices = #map1}, {transform_indices = #map1}, {transform_indices = #map1}, {transform_indices = #map1}, {transform_indices = #map1}, {transform_indices = #map1}, {transform_indices = #map1}, {transform_indices = #map1}, {transform_indices = #map}]} {
    %mul3A = arith.constant 2 : i32
    %mul3A_0 = arith.muli %arg1, %mul3A : i32
    %add3A = arith.addi %mul3A_0, %arg0 : i32
    %mul3A_1 = arith.constant 512 : i32
    %mul3A_2 = arith.muli %add3A, %mul3A_1 : i32
    "tpu.region"() ({
      %run_scoped3A = tpu.sem_alloc : memref<!tpu.dma_semaphore, #tpu.memory_space<semaphore_mem>>
      %dma_start3A_181 = tpu.memref_slice %arg2[%mul3A_2] : memref<16384xi32, #tpu.memory_space<hbm>> -> memref<512xi32, #tpu.memory_space<hbm>>
      %dma_start3A_182 = tpu.memref_slice %arg2[%mul3A_2] : memref<16384xi32, #tpu.memory_space<hbm>> -> memref<512xi32, #tpu.memory_space<hbm>>
      tpu.enqueue_dma source(%dma_start3A_182 : memref<512xi32, #tpu.memory_space<hbm>>) target(%arg13 : memref<512xi32, #tpu.memory_space<vmem>>) target_semaphore(%run_scoped3A : memref<!tpu.dma_semaphore, #tpu.memory_space<semaphore_mem>>)
      %dma_wait3A_183 = tpu.memref_slice %arg2[%mul3A_2] : memref<16384xi32, #tpu.memory_space<hbm>> -> memref<512xi32, #tpu.memory_space<hbm>>
      %dma_wait3A_184 = tpu.memref_slice %arg2[%mul3A_2] : memref<16384xi32, #tpu.memory_space<hbm>> -> memref<512xi32, #tpu.memory_space<hbm>>
      tpu.wait_dma2 semaphore(%run_scoped3A : memref<!tpu.dma_semaphore, #tpu.memory_space<semaphore_mem>>) src(%dma_wait3A_184 : memref<512xi32, #tpu.memory_space<hbm>>) dst(%arg13 : memref<512xi32, #tpu.memory_space<vmem>>)
      tpu.yield
    }) : () -> ()
    "tpu.region"() ({
      %run_scoped3A = tpu.sem_alloc : memref<!tpu.dma_semaphore, #tpu.memory_space<semaphore_mem>>
      %dma_start3A_181 = tpu.memref_slice %arg3[%mul3A_2] : memref<16384xi32, #tpu.memory_space<hbm>> -> memref<512xi32, #tpu.memory_space<hbm>>
      %dma_start3A_182 = tpu.memref_slice %arg3[%mul3A_2] : memref<16384xi32, #tpu.memory_space<hbm>> -> memref<512xi32, #tpu.memory_space<hbm>>
      tpu.enqueue_dma source(%dma_start3A_182 : memref<512xi32, #tpu.memory_space<hbm>>) target(%arg14 : memref<512xi32, #tpu.memory_space<vmem>>) target_semaphore(%run_scoped3A : memref<!tpu.dma_semaphore, #tpu.memory_space<semaphore_mem>>)
      %dma_wait3A_183 = tpu.memref_slice %arg3[%mul3A_2] : memref<16384xi32, #tpu.memory_space<hbm>> -> memref<512xi32, #tpu.memory_space<hbm>>
      %dma_wait3A_184 = tpu.memref_slice %arg3[%mul3A_2] : memref<16384xi32, #tpu.memory_space<hbm>> -> memref<512xi32, #tpu.memory_space<hbm>>
      tpu.wait_dma2 semaphore(%run_scoped3A : memref<!tpu.dma_semaphore, #tpu.memory_space<semaphore_mem>>) src(%dma_wait3A_184 : memref<512xi32, #tpu.memory_space<hbm>>) dst(%arg14 : memref<512xi32, #tpu.memory_space<vmem>>)
      tpu.yield
    }) : () -> ()
    %dma_start3A = arith.constant 0 : i32
    %dma_start3A_3 = tpu.memref_slice %arg13[%dma_start3A] : memref<512xi32, #tpu.memory_space<vmem>> -> memref<64xi32, #tpu.memory_space<vmem>>
    %dma_start3A_4 = arith.constant 0 : i32
    %dma_start3A_5 = arith.constant 0 : i32
    %dma_start3A_6 = tpu.memref_slice %arg4[%dma_start3A_4, %dma_start3A_5] : memref<100000x128xf32, #tpu.memory_space<hbm>> -> memref<100000x128xf32, #tpu.memory_space<hbm>>
    tpu.enqueue_indirect_dma source(%dma_start3A_6 : memref<100000x128xf32, #tpu.memory_space<hbm>>) target(%arg15 : memref<64x128xf32, #tpu.memory_space<vmem>>) offsets(%dma_start3A_3 : memref<64xi32, #tpu.memory_space<vmem>>) semaphore(%arg24 : memref<!tpu.dma_semaphore, #tpu.memory_space<semaphore_mem>>)
    %dma_start3A_7 = arith.constant 0 : i32
    %dma_start3A_8 = tpu.memref_slice %arg14[%dma_start3A_7] : memref<512xi32, #tpu.memory_space<vmem>> -> memref<64xi32, #tpu.memory_space<vmem>>
    %dma_start3A_9 = arith.constant 0 : i32
    %dma_start3A_10 = arith.constant 0 : i32
    %dma_start3A_11 = tpu.memref_slice %arg5[%dma_start3A_9, %dma_start3A_10] : memref<100000x128xf32, #tpu.memory_space<hbm>> -> memref<100000x128xf32, #tpu.memory_space<hbm>>
    tpu.enqueue_indirect_dma source(%dma_start3A_11 : memref<100000x128xf32, #tpu.memory_space<hbm>>) target(%arg16 : memref<64x128xf32, #tpu.memory_space<vmem>>) offsets(%dma_start3A_8 : memref<64xi32, #tpu.memory_space<vmem>>) semaphore(%arg25 : memref<!tpu.dma_semaphore, #tpu.memory_space<semaphore_mem>>)
    %dma_start3A_12 = arith.constant 0 : i32
    %dma_start3A_13 = tpu.memref_slice %arg13[%dma_start3A_12] : memref<512xi32, #tpu.memory_space<vmem>> -> memref<64xi32, #tpu.memory_space<vmem>>
    %dma_start3A_14 = arith.constant 0 : i32
    %dma_start3A_15 = arith.constant 0 : i32
    %dma_start3A_16 = tpu.memref_slice %arg6[%dma_start3A_14, %dma_start3A_15] : memref<100000x128xf32, #tpu.memory_space<hbm>> -> memref<100000x128xf32, #tpu.memory_space<hbm>>
    tpu.enqueue_indirect_dma source(%dma_start3A_16 : memref<100000x128xf32, #tpu.memory_space<hbm>>) target(%arg17 : memref<64x128xf32, #tpu.memory_space<vmem>>) offsets(%dma_start3A_13 : memref<64xi32, #tpu.memory_space<vmem>>) semaphore(%arg26 : memref<!tpu.dma_semaphore, #tpu.memory_space<semaphore_mem>>)
    %dma_start3A_17 = arith.constant 0 : i32
    %dma_start3A_18 = tpu.memref_slice %arg14[%dma_start3A_17] : memref<512xi32, #tpu.memory_space<vmem>> -> memref<64xi32, #tpu.memory_space<vmem>>
    %dma_start3A_19 = arith.constant 0 : i32
    %dma_start3A_20 = arith.constant 0 : i32
    %dma_start3A_21 = tpu.memref_slice %arg7[%dma_start3A_19, %dma_start3A_20] : memref<100000x128xf32, #tpu.memory_space<hbm>> -> memref<100000x128xf32, #tpu.memory_space<hbm>>
    tpu.enqueue_indirect_dma source(%dma_start3A_21 : memref<100000x128xf32, #tpu.memory_space<hbm>>) target(%arg18 : memref<64x128xf32, #tpu.memory_space<vmem>>) offsets(%dma_start3A_18 : memref<64xi32, #tpu.memory_space<vmem>>) semaphore(%arg27 : memref<!tpu.dma_semaphore, #tpu.memory_space<semaphore_mem>>)
    %dma_start3A_22 = arith.constant 64 : i32
    %dma_start3A_23 = tpu.memref_slice %arg13[%dma_start3A_22] : memref<512xi32, #tpu.memory_space<vmem>> -> memref<64xi32, #tpu.memory_space<vmem>>
    %dma_start3A_24 = arith.constant 0 : i32
    %dma_start3A_25 = arith.constant 0 : i32
    %dma_start3A_26 = tpu.memref_slice %arg4[%dma_start3A_24, %dma_start3A_25] : memref<100000x128xf32, #tpu.memory_space<hbm>> -> memref<100000x128xf32, #tpu.memory_space<hbm>>
    tpu.enqueue_indirect_dma source(%dma_start3A_26 : memref<100000x128xf32, #tpu.memory_space<hbm>>) target(%arg19 : memref<64x128xf32, #tpu.memory_space<vmem>>) offsets(%dma_start3A_23 : memref<64xi32, #tpu.memory_space<vmem>>) semaphore(%arg28 : memref<!tpu.dma_semaphore, #tpu.memory_space<semaphore_mem>>)
    %dma_start3A_27 = arith.constant 64 : i32
    %dma_start3A_28 = tpu.memref_slice %arg14[%dma_start3A_27] : memref<512xi32, #tpu.memory_space<vmem>> -> memref<64xi32, #tpu.memory_space<vmem>>
    %dma_start3A_29 = arith.constant 0 : i32
    %dma_start3A_30 = arith.constant 0 : i32
    %dma_start3A_31 = tpu.memref_slice %arg5[%dma_start3A_29, %dma_start3A_30] : memref<100000x128xf32, #tpu.memory_space<hbm>> -> memref<100000x128xf32, #tpu.memory_space<hbm>>
    tpu.enqueue_indirect_dma source(%dma_start3A_31 : memref<100000x128xf32, #tpu.memory_space<hbm>>) target(%arg20 : memref<64x128xf32, #tpu.memory_space<vmem>>) offsets(%dma_start3A_28 : memref<64xi32, #tpu.memory_space<vmem>>) semaphore(%arg29 : memref<!tpu.dma_semaphore, #tpu.memory_space<semaphore_mem>>)
    %dma_start3A_32 = arith.constant 64 : i32
    %dma_start3A_33 = tpu.memref_slice %arg13[%dma_start3A_32] : memref<512xi32, #tpu.memory_space<vmem>> -> memref<64xi32, #tpu.memory_space<vmem>>
    %dma_start3A_34 = arith.constant 0 : i32
    %dma_start3A_35 = arith.constant 0 : i32
    %dma_start3A_36 = tpu.memref_slice %arg6[%dma_start3A_34, %dma_start3A_35] : memref<100000x128xf32, #tpu.memory_space<hbm>> -> memref<100000x128xf32, #tpu.memory_space<hbm>>
    tpu.enqueue_indirect_dma source(%dma_start3A_36 : memref<100000x128xf32, #tpu.memory_space<hbm>>) target(%arg21 : memref<64x128xf32, #tpu.memory_space<vmem>>) offsets(%dma_start3A_33 : memref<64xi32, #tpu.memory_space<vmem>>) semaphore(%arg30 : memref<!tpu.dma_semaphore, #tpu.memory_space<semaphore_mem>>)
    %dma_start3A_37 = arith.constant 64 : i32
    %dma_start3A_38 = tpu.memref_slice %arg14[%dma_start3A_37] : memref<512xi32, #tpu.memory_space<vmem>> -> memref<64xi32, #tpu.memory_space<vmem>>
    %dma_start3A_39 = arith.constant 0 : i32
    %dma_start3A_40 = arith.constant 0 : i32
    %dma_start3A_41 = tpu.memref_slice %arg7[%dma_start3A_39, %dma_start3A_40] : memref<100000x128xf32, #tpu.memory_space<hbm>> -> memref<100000x128xf32, #tpu.memory_space<hbm>>
    tpu.enqueue_indirect_dma source(%dma_start3A_41 : memref<100000x128xf32, #tpu.memory_space<hbm>>) target(%arg22 : memref<64x128xf32, #tpu.memory_space<vmem>>) offsets(%dma_start3A_38 : memref<64xi32, #tpu.memory_space<vmem>>) semaphore(%arg31 : memref<!tpu.dma_semaphore, #tpu.memory_space<semaphore_mem>>)
    %dma_wait3A = arith.constant 0 : i32
    %dma_wait3A_42 = tpu.memref_slice %arg13[%dma_wait3A] : memref<512xi32, #tpu.memory_space<vmem>> -> memref<64xi32, #tpu.memory_space<vmem>>
    %dma_wait3A_43 = arith.constant 0 : i32
    %dma_wait3A_44 = arith.constant 0 : i32
    %dma_wait3A_45 = tpu.memref_slice %arg4[%dma_wait3A_43, %dma_wait3A_44] : memref<100000x128xf32, #tpu.memory_space<hbm>> -> memref<100000x128xf32, #tpu.memory_space<hbm>>
    tpu.wait_indirect_dma semaphore(%arg26 : memref<!tpu.dma_semaphore, #tpu.memory_space<semaphore_mem>>) src(%dma_wait3A_45 : memref<100000x128xf32, #tpu.memory_space<hbm>>) dst(%arg17 : memref<64x128xf32, #tpu.memory_space<vmem>>)
    %add3A_46 = arith.constant 0 : i32
    %add3A_47 = arith.addi %mul3A_2, %add3A_46 : i32
    %dma_start3A_48 = arith.constant 0 : i32
    %dma_start3A_49 = tpu.memref_slice %arg10[%add3A_47, %dma_start3A_48] : memref<16384x128xf32, #tpu.memory_space<hbm>> -> memref<64x128xf32, #tpu.memory_space<hbm>>
    %dma_start3A_50 = arith.constant 0 : i32
    %dma_start3A_51 = tpu.memref_slice %arg10[%add3A_47, %dma_start3A_50] : memref<16384x128xf32, #tpu.memory_space<hbm>> -> memref<64x128xf32, #tpu.memory_space<hbm>>
    tpu.enqueue_dma source(%arg17 : memref<64x128xf32, #tpu.memory_space<vmem>>) target(%dma_start3A_51 : memref<64x128xf32, #tpu.memory_space<hbm>>) target_semaphore(%arg34 : memref<!tpu.dma_semaphore, #tpu.memory_space<semaphore_mem>>)
    %dma_wait3A_52 = arith.constant 0 : i32
    %dma_wait3A_53 = tpu.memref_slice %arg13[%dma_wait3A_52] : memref<512xi32, #tpu.memory_space<vmem>> -> memref<64xi32, #tpu.memory_space<vmem>>
    %dma_wait3A_54 = arith.constant 0 : i32
    %dma_wait3A_55 = arith.constant 0 : i32
    %dma_wait3A_56 = tpu.memref_slice %arg4[%dma_wait3A_54, %dma_wait3A_55] : memref<100000x128xf32, #tpu.memory_space<hbm>> -> memref<100000x128xf32, #tpu.memory_space<hbm>>
    tpu.wait_indirect_dma semaphore(%arg27 : memref<!tpu.dma_semaphore, #tpu.memory_space<semaphore_mem>>) src(%dma_wait3A_56 : memref<100000x128xf32, #tpu.memory_space<hbm>>) dst(%arg18 : memref<64x128xf32, #tpu.memory_space<vmem>>)
    %add3A_57 = arith.constant 0 : i32
    %add3A_58 = arith.addi %mul3A_2, %add3A_57 : i32
    %dma_start3A_59 = arith.constant 0 : i32
    %dma_start3A_60 = tpu.memref_slice %arg11[%add3A_58, %dma_start3A_59] : memref<16384x128xf32, #tpu.memory_space<hbm>> -> memref<64x128xf32, #tpu.memory_space<hbm>>
    %dma_start3A_61 = arith.constant 0 : i32
    %dma_start3A_62 = tpu.memref_slice %arg11[%add3A_58, %dma_start3A_61] : memref<16384x128xf32, #tpu.memory_space<hbm>> -> memref<64x128xf32, #tpu.memory_space<hbm>>
    tpu.enqueue_dma source(%arg18 : memref<64x128xf32, #tpu.memory_space<vmem>>) target(%dma_start3A_62 : memref<64x128xf32, #tpu.memory_space<hbm>>) target_semaphore(%arg35 : memref<!tpu.dma_semaphore, #tpu.memory_space<semaphore_mem>>)
    %broadcast_in_dim3A = arith.constant 0.000000e+00 : f32
    %broadcast_in_dim3A_63 = vector.broadcast %broadcast_in_dim3A : f32 to vector<16xf32>
    %scan3A = arith.constant 0 : i32
    %scan3A_64 = arith.constant 32 : i32
    %scan3A_65 = arith.addi %scan3A, %scan3A_64 : i32
    %scan3A_66 = arith.constant 1 : i32
    %scan3A_67 = scf.for %scan3A_181 = %scan3A to %scan3A_65 step %scan3A_66 iter_args(%scan3A_182 = %broadcast_in_dim3A_63) -> (vector<16xf32>)  : i32 {
      %iota3A = tpu.iota {dimensions = array<i32: 0>} : vector<16xi32>
      %jit3A = arith.constant 8 : i32
      %eq3A = arith.constant 0 : i32
      %eq3A_183 = arith.cmpi eq, %jit3A, %eq3A : i32
      %jit3A_184 = arith.constant 1 : i32
      %select_n3A = arith.select %eq3A_183, %jit3A_184, %jit3A : i32
      %rem3A = arith.remsi %scan3A_181, %select_n3A : i32
      %ne3A = arith.constant 0 : i32
      %ne3A_185 = arith.cmpi ne, %rem3A, %ne3A : i32
      %lt3A = arith.constant 0 : i32
      %lt3A_186 = arith.cmpi slt, %rem3A, %lt3A : i32
      %lt3A_187 = arith.constant 0 : i32
      %lt3A_188 = arith.cmpi slt, %select_n3A, %lt3A_187 : i32
      %ne3A_189 = arith.xori %lt3A_186, %lt3A_188 : i1
      %and3A = arith.andi %ne3A_189, %ne3A_185 : i1
      %add3A_190 = arith.addi %rem3A, %select_n3A : i32
      %select_n3A_191 = arith.select %and3A, %add3A_190, %rem3A : i32
      %mul3A_192 = arith.constant 2 : i32
      %mul3A_193 = arith.muli %select_n3A_191, %mul3A_192 : i32
      %mul3A_194 = arith.constant 2 : i32
      %mul3A_195 = arith.muli %scan3A_181, %mul3A_194 : i32
      %add3A_196 = arith.constant 0 : i32
      %add3A_197 = arith.addi %mul3A_195, %add3A_196 : i32
      %get3A = arith.index_cast %add3A_197 : i32 to index
      %get3A_198 = arith.constant 0 : index
      %get3A_199 = tpu.vector_load %arg17[%get3A, %get3A_198] {strides = array<i32>} : memref<64x128xf32, #tpu.memory_space<vmem>>, vector<16xf32>,
      %get3A_200 = arith.index_cast %add3A_197 : i32 to index
      %get3A_201 = arith.constant 0 : index
      %get3A_202 = tpu.vector_load %arg18[%get3A_200, %get3A_201] {strides = array<i32>} : memref<64x128xf32, #tpu.memory_space<vmem>>, vector<16xf32>,
      %mul3A_203 = arith.mulf %get3A_199, %get3A_202 : vector<16xf32>
      %get3A_204 = arith.index_cast %add3A_197 : i32 to index
      %get3A_205 = arith.constant 16 : index
      %get3A_206 = tpu.vector_load %arg17[%get3A_204, %get3A_205] {strides = array<i32>} : memref<64x128xf32, #tpu.memory_space<vmem>>, vector<16xf32>,
      %get3A_207 = arith.index_cast %add3A_197 : i32 to index
      %get3A_208 = arith.constant 16 : index
      %get3A_209 = tpu.vector_load %arg18[%get3A_207, %get3A_208] {strides = array<i32>} : memref<64x128xf32, #tpu.memory_space<vmem>>, vector<16xf32>,
      %mul3A_210 = arith.mulf %get3A_206, %get3A_209 : vector<16xf32>
      %add3A_211 = arith.addf %mul3A_203, %mul3A_210 : vector<16xf32>
      %get3A_212 = arith.index_cast %add3A_197 : i32 to index
      %get3A_213 = arith.constant 32 : index
      %get3A_214 = tpu.vector_load %arg17[%get3A_212, %get3A_213] {strides = array<i32>} : memref<64x128xf32, #tpu.memory_space<vmem>>, vector<16xf32>,
      %get3A_215 = arith.index_cast %add3A_197 : i32 to index
      %get3A_216 = arith.constant 32 : index
      %get3A_217 = tpu.vector_load %arg18[%get3A_215, %get3A_216] {strides = array<i32>} : memref<64x128xf32, #tpu.memory_space<vmem>>, vector<16xf32>,
      %mul3A_218 = arith.mulf %get3A_214, %get3A_217 : vector<16xf32>
      %add3A_219 = arith.addf %add3A_211, %mul3A_218 : vector<16xf32>
      %get3A_220 = arith.index_cast %add3A_197 : i32 to index
      %get3A_221 = arith.constant 48 : index
      %get3A_222 = tpu.vector_load %arg17[%get3A_220, %get3A_221] {strides = array<i32>} : memref<64x128xf32, #tpu.memory_space<vmem>>, vector<16xf32>,
      %get3A_223 = arith.index_cast %add3A_197 : i32 to index
      %get3A_224 = arith.constant 48 : index
      %get3A_225 = tpu.vector_load %arg18[%get3A_223, %get3A_224] {strides = array<i32>} : memref<64x128xf32, #tpu.memory_space<vmem>>, vector<16xf32>,
      %mul3A_226 = arith.mulf %get3A_222, %get3A_225 : vector<16xf32>
      %add3A_227 = arith.addf %add3A_219, %mul3A_226 : vector<16xf32>
      %get3A_228 = arith.index_cast %add3A_197 : i32 to index
      %get3A_229 = arith.constant 64 : index
      %get3A_230 = tpu.vector_load %arg17[%get3A_228, %get3A_229] {strides = array<i32>} : memref<64x128xf32, #tpu.memory_space<vmem>>, vector<16xf32>,
      %get3A_231 = arith.index_cast %add3A_197 : i32 to index
      %get3A_232 = arith.constant 64 : index
      %get3A_233 = tpu.vector_load %arg18[%get3A_231, %get3A_232] {strides = array<i32>} : memref<64x128xf32, #tpu.memory_space<vmem>>, vector<16xf32>,
      %mul3A_234 = arith.mulf %get3A_230, %get3A_233 : vector<16xf32>
      %add3A_235 = arith.addf %add3A_227, %mul3A_234 : vector<16xf32>
      %get3A_236 = arith.index_cast %add3A_197 : i32 to index
      %get3A_237 = arith.constant 80 : index
      %get3A_238 = tpu.vector_load %arg17[%get3A_236, %get3A_237] {strides = array<i32>} : memref<64x128xf32, #tpu.memory_space<vmem>>, vector<16xf32>,
      %get3A_239 = arith.index_cast %add3A_197 : i32 to index
      %get3A_240 = arith.constant 80 : index
      %get3A_241 = tpu.vector_load %arg18[%get3A_239, %get3A_240] {strides = array<i32>} : memref<64x128xf32, #tpu.memory_space<vmem>>, vector<16xf32>,
      %mul3A_242 = arith.mulf %get3A_238, %get3A_241 : vector<16xf32>
      %add3A_243 = arith.addf %add3A_235, %mul3A_242 : vector<16xf32>
      %get3A_244 = arith.index_cast %add3A_197 : i32 to index
      %get3A_245 = arith.constant 96 : index
      %get3A_246 = tpu.vector_load %arg17[%get3A_244, %get3A_245] {strides = array<i32>} : memref<64x128xf32, #tpu.memory_space<vmem>>, vector<16xf32>,
      %get3A_247 = arith.index_cast %add3A_197 : i32 to index
      %get3A_248 = arith.constant 96 : index
      %get3A_249 = tpu.vector_load %arg18[%get3A_247, %get3A_248] {strides = array<i32>} : memref<64x128xf32, #tpu.memory_space<vmem>>, vector<16xf32>,
      %mul3A_250 = arith.mulf %get3A_246, %get3A_249 : vector<16xf32>
      %add3A_251 = arith.addf %add3A_243, %mul3A_250 : vector<16xf32>
      %get3A_252 = arith.index_cast %add3A_197 : i32 to index
      %get3A_253 = arith.constant 112 : index
      %get3A_254 = tpu.vector_load %arg17[%get3A_252, %get3A_253] {strides = array<i32>} : memref<64x128xf32, #tpu.memory_space<vmem>>, vector<16xf32>,
      %get3A_255 = arith.index_cast %add3A_197 : i32 to index
      %get3A_256 = arith.constant 112 : index
      %get3A_257 = tpu.vector_load %arg18[%get3A_255, %get3A_256] {strides = array<i32>} : memref<64x128xf32, #tpu.memory_space<vmem>>, vector<16xf32>,
      %mul3A_258 = arith.mulf %get3A_254, %get3A_257 : vector<16xf32>
      %add3A_259 = arith.addf %add3A_251, %mul3A_258 : vector<16xf32>
      %add3A_260 = arith.constant 0 : i32
      %add3A_261 = arith.addi %mul3A_193, %add3A_260 : i32
      %eq3A_262 = vector.broadcast %add3A_261 : i32 to vector<16xi32>
      %eq3A_263 = arith.cmpi eq, %iota3A, %eq3A_262 : vector<16xi32>
      %reduce_sum3A = arith.constant true
      %reduce_sum3A_264 = vector.broadcast %reduce_sum3A : i1 to vector<16xi1>
      %reduce_sum3A_265 = tpu.scan <sum>, %add3A_259 masked %reduce_sum3A_264 : vector<16xf32>, vector<16xi1> -> vector<16xf32>
      %reduce_sum3A_266 = vector.extract %reduce_sum3A_265[15] : f32 from vector<16xf32>
      %broadcast_in_dim3A_267 = vector.broadcast %reduce_sum3A_266 : f32 to vector<16xf32>
      %select_n3A_268 = arith.select %eq3A_263, %broadcast_in_dim3A_267, %scan3A_182 : vector<16xi1>, vector<16xf32>
      %mul3A_269 = arith.constant 2 : i32
      %mul3A_270 = arith.muli %scan3A_181, %mul3A_269 : i32
      %add3A_271 = arith.constant 1 : i32
      %add3A_272 = arith.addi %mul3A_270, %add3A_271 : i32
      %get3A_273 = arith.index_cast %add3A_272 : i32 to index
      %get3A_274 = arith.constant 0 : index
      %get3A_275 = tpu.vector_load %arg17[%get3A_273, %get3A_274] {strides = array<i32>} : memref<64x128xf32, #tpu.memory_space<vmem>>, vector<16xf32>,
      %get3A_276 = arith.index_cast %add3A_272 : i32 to index
      %get3A_277 = arith.constant 0 : index
      %get3A_278 = tpu.vector_load %arg18[%get3A_276, %get3A_277] {strides = array<i32>} : memref<64x128xf32, #tpu.memory_space<vmem>>, vector<16xf32>,
      %mul3A_279 = arith.mulf %get3A_275, %get3A_278 : vector<16xf32>
      %get3A_280 = arith.index_cast %add3A_272 : i32 to index
      %get3A_281 = arith.constant 16 : index
      %get3A_282 = tpu.vector_load %arg17[%get3A_280, %get3A_281] {strides = array<i32>} : memref<64x128xf32, #tpu.memory_space<vmem>>, vector<16xf32>,
      %get3A_283 = arith.index_cast %add3A_272 : i32 to index
      %get3A_284 = arith.constant 16 : index
      %get3A_285 = tpu.vector_load %arg18[%get3A_283, %get3A_284] {strides = array<i32>} : memref<64x128xf32, #tpu.memory_space<vmem>>, vector<16xf32>,
      %mul3A_286 = arith.mulf %get3A_282, %get3A_285 : vector<16xf32>
      %add3A_287 = arith.addf %mul3A_279, %mul3A_286 : vector<16xf32>
      %get3A_288 = arith.index_cast %add3A_272 : i32 to index
      %get3A_289 = arith.constant 32 : index
      %get3A_290 = tpu.vector_load %arg17[%get3A_288, %get3A_289] {strides = array<i32>} : memref<64x128xf32, #tpu.memory_space<vmem>>, vector<16xf32>,
      %get3A_291 = arith.index_cast %add3A_272 : i32 to index
      %get3A_292 = arith.constant 32 : index
      %get3A_293 = tpu.vector_load %arg18[%get3A_291, %get3A_292] {strides = array<i32>} : memref<64x128xf32, #tpu.memory_space<vmem>>, vector<16xf32>,
      %mul3A_294 = arith.mulf %get3A_290, %get3A_293 : vector<16xf32>
      %add3A_295 = arith.addf %add3A_287, %mul3A_294 : vector<16xf32>
      %get3A_296 = arith.index_cast %add3A_272 : i32 to index
      %get3A_297 = arith.constant 48 : index
      %get3A_298 = tpu.vector_load %arg17[%get3A_296, %get3A_297] {strides = array<i32>} : memref<64x128xf32, #tpu.memory_space<vmem>>, vector<16xf32>,
      %get3A_299 = arith.index_cast %add3A_272 : i32 to index
      %get3A_300 = arith.constant 48 : index
      %get3A_301 = tpu.vector_load %arg18[%get3A_299, %get3A_300] {strides = array<i32>} : memref<64x128xf32, #tpu.memory_space<vmem>>, vector<16xf32>,
      %mul3A_302 = arith.mulf %get3A_298, %get3A_301 : vector<16xf32>
      %add3A_303 = arith.addf %add3A_295, %mul3A_302 : vector<16xf32>
      %get3A_304 = arith.index_cast %add3A_272 : i32 to index
      %get3A_305 = arith.constant 64 : index
      %get3A_306 = tpu.vector_load %arg17[%get3A_304, %get3A_305] {strides = array<i32>} : memref<64x128xf32, #tpu.memory_space<vmem>>, vector<16xf32>,
      %get3A_307 = arith.index_cast %add3A_272 : i32 to index
      %get3A_308 = arith.constant 64 : index
      %get3A_309 = tpu.vector_load %arg18[%get3A_307, %get3A_308] {strides = array<i32>} : memref<64x128xf32, #tpu.memory_space<vmem>>, vector<16xf32>,
      %mul3A_310 = arith.mulf %get3A_306, %get3A_309 : vector<16xf32>
      %add3A_311 = arith.addf %add3A_303, %mul3A_310 : vector<16xf32>
      %get3A_312 = arith.index_cast %add3A_272 : i32 to index
      %get3A_313 = arith.constant 80 : index
      %get3A_314 = tpu.vector_load %arg17[%get3A_312, %get3A_313] {strides = array<i32>} : memref<64x128xf32, #tpu.memory_space<vmem>>, vector<16xf32>,
      %get3A_315 = arith.index_cast %add3A_272 : i32 to index
      %get3A_316 = arith.constant 80 : index
      %get3A_317 = tpu.vector_load %arg18[%get3A_315, %get3A_316] {strides = array<i32>} : memref<64x128xf32, #tpu.memory_space<vmem>>, vector<16xf32>,
      %mul3A_318 = arith.mulf %get3A_314, %get3A_317 : vector<16xf32>
      %add3A_319 = arith.addf %add3A_311, %mul3A_318 : vector<16xf32>
      %get3A_320 = arith.index_cast %add3A_272 : i32 to index
      %get3A_321 = arith.constant 96 : index
      %get3A_322 = tpu.vector_load %arg17[%get3A_320, %get3A_321] {strides = array<i32>} : memref<64x128xf32, #tpu.memory_space<vmem>>, vector<16xf32>,
      %get3A_323 = arith.index_cast %add3A_272 : i32 to index
      %get3A_324 = arith.constant 96 : index
      %get3A_325 = tpu.vector_load %arg18[%get3A_323, %get3A_324] {strides = array<i32>} : memref<64x128xf32, #tpu.memory_space<vmem>>, vector<16xf32>,
      %mul3A_326 = arith.mulf %get3A_322, %get3A_325 : vector<16xf32>
      %add3A_327 = arith.addf %add3A_319, %mul3A_326 : vector<16xf32>
      %get3A_328 = arith.index_cast %add3A_272 : i32 to index
      %get3A_329 = arith.constant 112 : index
      %get3A_330 = tpu.vector_load %arg17[%get3A_328, %get3A_329] {strides = array<i32>} : memref<64x128xf32, #tpu.memory_space<vmem>>, vector<16xf32>,
      %get3A_331 = arith.index_cast %add3A_272 : i32 to index
      %get3A_332 = arith.constant 112 : index
      %get3A_333 = tpu.vector_load %arg18[%get3A_331, %get3A_332] {strides = array<i32>} : memref<64x128xf32, #tpu.memory_space<vmem>>, vector<16xf32>,
      %mul3A_334 = arith.mulf %get3A_330, %get3A_333 : vector<16xf32>
      %add3A_335 = arith.addf %add3A_327, %mul3A_334 : vector<16xf32>
      %add3A_336 = arith.constant 1 : i32
      %add3A_337 = arith.addi %mul3A_193, %add3A_336 : i32
      %eq3A_338 = vector.broadcast %add3A_337 : i32 to vector<16xi32>
      %eq3A_339 = arith.cmpi eq, %iota3A, %eq3A_338 : vector<16xi32>
      %reduce_sum3A_340 = arith.constant true
      %reduce_sum3A_341 = vector.broadcast %reduce_sum3A_340 : i1 to vector<16xi1>
      %reduce_sum3A_342 = tpu.scan <sum>, %add3A_335 masked %reduce_sum3A_341 : vector<16xf32>, vector<16xi1> -> vector<16xf32>
      %reduce_sum3A_343 = vector.extract %reduce_sum3A_342[15] : f32 from vector<16xf32>
      %broadcast_in_dim3A_344 = vector.broadcast %reduce_sum3A_343 : f32 to vector<16xf32>
      %select_n3A_345 = arith.select %eq3A_339, %broadcast_in_dim3A_344, %select_n3A_268 : vector<16xi1>, vector<16xf32>
      %jit3A_346 = arith.constant 8 : i32
      %div3A = arith.divsi %scan3A_181, %jit3A_346 : i32
      %sign3A = arith.constant 0 : i32
      %sign3A_347 = arith.cmpi sgt, %scan3A_181, %sign3A : i32
      %sign3A_348 = arith.extui %sign3A_347 : i1 to i32
      %sign3A_349 = arith.constant 0 : i32
      %sign3A_350 = arith.cmpi slt, %scan3A_181, %sign3A_349 : i32
      %sign3A_351 = arith.extui %sign3A_350 : i1 to i32
      %sign3A_352 = arith.subi %sign3A_348, %sign3A_351 : i32
      %sign3A_353 = arith.constant 0 : i32
      %sign3A_354 = arith.cmpi sgt, %jit3A_346, %sign3A_353 : i32
      %sign3A_355 = arith.extui %sign3A_354 : i1 to i32
      %sign3A_356 = arith.constant 0 : i32
      %sign3A_357 = arith.cmpi slt, %jit3A_346, %sign3A_356 : i32
      %sign3A_358 = arith.extui %sign3A_357 : i1 to i32
      %sign3A_359 = arith.subi %sign3A_355, %sign3A_358 : i32
      %ne3A_360 = arith.cmpi ne, %sign3A_352, %sign3A_359 : i32
      %rem3A_361 = arith.remsi %scan3A_181, %jit3A_346 : i32
      %ne3A_362 = arith.constant 0 : i32
      %ne3A_363 = arith.cmpi ne, %rem3A_361, %ne3A_362 : i32
      %and3A_364 = arith.andi %ne3A_360, %ne3A_363 : i1
      %sub3A = arith.constant 1 : i32
      %sub3A_365 = arith.subi %div3A, %sub3A : i32
      %select_n3A_366 = arith.select %and3A_364, %sub3A_365, %div3A : i32
      %mul3A_367 = arith.constant 16 : i32
      %mul3A_368 = arith.muli %select_n3A_366, %mul3A_367 : i32
      %add3A_369 = arith.constant 0 : i32
      %add3A_370 = arith.addi %add3A_369, %mul3A_368 : i32
      %swap3A = arith.index_cast %add3A_370 : i32 to index
      %swap3A_371 = tpu.vector_load %arg23[%swap3A] {strides = array<i32>} : memref<512xf32, #tpu.memory_space<vmem>>, vector<16xf32>,
      tpu.vector_store %arg23[%swap3A], %select_n3A_345 {strides = array<i32>} : memref<512xf32, #tpu.memory_space<vmem>>, vector<16xf32>,
      %jit3A_372 = arith.constant 8 : i32
      %eq3A_373 = arith.constant 0 : i32
      %eq3A_374 = arith.cmpi eq, %jit3A_372, %eq3A_373 : i32
      %jit3A_375 = arith.constant 1 : i32
      %select_n3A_376 = arith.select %eq3A_374, %jit3A_375, %jit3A_372 : i32
      %rem3A_377 = arith.remsi %scan3A_181, %select_n3A_376 : i32
      %ne3A_378 = arith.constant 0 : i32
      %ne3A_379 = arith.cmpi ne, %rem3A_377, %ne3A_378 : i32
      %lt3A_380 = arith.constant 0 : i32
      %lt3A_381 = arith.cmpi slt, %rem3A_377, %lt3A_380 : i32
      %lt3A_382 = arith.constant 0 : i32
      %lt3A_383 = arith.cmpi slt, %select_n3A_376, %lt3A_382 : i32
      %ne3A_384 = arith.xori %lt3A_381, %lt3A_383 : i1
      %and3A_385 = arith.andi %ne3A_384, %ne3A_379 : i1
      %add3A_386 = arith.addi %rem3A_377, %select_n3A_376 : i32
      %select_n3A_387 = arith.select %and3A_385, %add3A_386, %rem3A_377 : i32
      %eq3A_388 = arith.constant 7 : i32
      %eq3A_389 = arith.cmpi eq, %select_n3A_387, %eq3A_388 : i32
      %jit3A_390 = arith.constant 0.000000e+00 : f32
      %jit3A_391 = arith.constant 1.000000e+00 : f32
      %select_n3A_392 = arith.select %eq3A_389, %jit3A_390, %jit3A_391 : f32
      %mul3A_393 = vector.broadcast %select_n3A_392 : f32 to vector<16xf32>
      %mul3A_394 = arith.mulf %select_n3A_345, %mul3A_393 : vector<16xf32>
      scf.yield %mul3A_394 : vector<16xf32>
    }
    %scan3A_68 = arith.constant 32 : i32
    %dma_wait3A_69 = arith.constant 0 : i32
    %dma_wait3A_70 = tpu.memref_slice %arg13[%dma_wait3A_69] : memref<512xi32, #tpu.memory_space<vmem>> -> memref<64xi32, #tpu.memory_space<vmem>>
    %dma_wait3A_71 = arith.constant 0 : i32
    %dma_wait3A_72 = arith.constant 0 : i32
    %dma_wait3A_73 = tpu.memref_slice %arg4[%dma_wait3A_71, %dma_wait3A_72] : memref<100000x128xf32, #tpu.memory_space<hbm>> -> memref<100000x128xf32, #tpu.memory_space<hbm>>
    tpu.wait_indirect_dma semaphore(%arg24 : memref<!tpu.dma_semaphore, #tpu.memory_space<semaphore_mem>>) src(%dma_wait3A_73 : memref<100000x128xf32, #tpu.memory_space<hbm>>) dst(%arg15 : memref<64x128xf32, #tpu.memory_space<vmem>>)
    %add3A_74 = arith.constant 0 : i32
    %add3A_75 = arith.addi %mul3A_2, %add3A_74 : i32
    %dma_start3A_76 = arith.constant 0 : i32
    %dma_start3A_77 = tpu.memref_slice %arg8[%add3A_75, %dma_start3A_76] : memref<16384x128xf32, #tpu.memory_space<hbm>> -> memref<64x128xf32, #tpu.memory_space<hbm>>
    %dma_start3A_78 = arith.constant 0 : i32
    %dma_start3A_79 = tpu.memref_slice %arg8[%add3A_75, %dma_start3A_78] : memref<16384x128xf32, #tpu.memory_space<hbm>> -> memref<64x128xf32, #tpu.memory_space<hbm>>
    tpu.enqueue_dma source(%arg15 : memref<64x128xf32, #tpu.memory_space<vmem>>) target(%dma_start3A_79 : memref<64x128xf32, #tpu.memory_space<hbm>>) target_semaphore(%arg32 : memref<!tpu.dma_semaphore, #tpu.memory_space<semaphore_mem>>)
    %dma_wait3A_80 = arith.constant 0 : i32
    %dma_wait3A_81 = tpu.memref_slice %arg13[%dma_wait3A_80] : memref<512xi32, #tpu.memory_space<vmem>> -> memref<64xi32, #tpu.memory_space<vmem>>
    %dma_wait3A_82 = arith.constant 0 : i32
    %dma_wait3A_83 = arith.constant 0 : i32
    %dma_wait3A_84 = tpu.memref_slice %arg4[%dma_wait3A_82, %dma_wait3A_83] : memref<100000x128xf32, #tpu.memory_space<hbm>> -> memref<100000x128xf32, #tpu.memory_space<hbm>>
    tpu.wait_indirect_dma semaphore(%arg25 : memref<!tpu.dma_semaphore, #tpu.memory_space<semaphore_mem>>) src(%dma_wait3A_84 : memref<100000x128xf32, #tpu.memory_space<hbm>>) dst(%arg16 : memref<64x128xf32, #tpu.memory_space<vmem>>)
    %add3A_85 = arith.constant 0 : i32
    %add3A_86 = arith.addi %mul3A_2, %add3A_85 : i32
    %dma_start3A_87 = arith.constant 0 : i32
    %dma_start3A_88 = tpu.memref_slice %arg9[%add3A_86, %dma_start3A_87] : memref<16384x128xf32, #tpu.memory_space<hbm>> -> memref<64x128xf32, #tpu.memory_space<hbm>>
    %dma_start3A_89 = arith.constant 0 : i32
    %dma_start3A_90 = tpu.memref_slice %arg9[%add3A_86, %dma_start3A_89] : memref<16384x128xf32, #tpu.memory_space<hbm>> -> memref<64x128xf32, #tpu.memory_space<hbm>>
    tpu.enqueue_dma source(%arg16 : memref<64x128xf32, #tpu.memory_space<vmem>>) target(%dma_start3A_90 : memref<64x128xf32, #tpu.memory_space<hbm>>) target_semaphore(%arg33 : memref<!tpu.dma_semaphore, #tpu.memory_space<semaphore_mem>>)
    %scan3A_91 = arith.constant 0 : i32
    %scan3A_92 = arith.constant 1 : i32
    %scan3A_93 = arith.constant 3 : i32
    %scan3A_94 = arith.addi %scan3A_92, %scan3A_93 : i32
    %scan3A_95 = arith.constant 1 : i32
    scf.for %scan3A_181 = %scan3A_92 to %scan3A_94 step %scan3A_95  : i32 {
      %mul3A_182 = arith.constant 2 : i32
      %mul3A_183 = arith.muli %mul3A_182, %scan3A_181 : i32
      %add3A_184 = arith.constant 1 : i32
      %add3A_185 = arith.addi %mul3A_183, %add3A_184 : i32
      %dma_wait3A_186 = arith.constant 0 : i32
      %dma_wait3A_187 = tpu.memref_slice %arg8[%mul3A_2, %dma_wait3A_186] : memref<16384x128xf32, #tpu.memory_space<hbm>> -> memref<64x128xf32, #tpu.memory_space<hbm>>
      %dma_wait3A_188 = arith.constant 0 : i32
      %dma_wait3A_189 = tpu.memref_slice %arg8[%mul3A_2, %dma_wait3A_188] : memref<16384x128xf32, #tpu.memory_space<hbm>> -> memref<64x128xf32, #tpu.memory_space<hbm>>
      tpu.wait_dma2 semaphore(%arg32 : memref<!tpu.dma_semaphore, #tpu.memory_space<semaphore_mem>>) src(%arg15 : memref<64x128xf32, #tpu.memory_space<vmem>>) dst(%dma_wait3A_189 : memref<64x128xf32, #tpu.memory_space<hbm>>)
      %dma_wait3A_190 = arith.constant 0 : i32
      %dma_wait3A_191 = tpu.memref_slice %arg9[%mul3A_2, %dma_wait3A_190] : memref<16384x128xf32, #tpu.memory_space<hbm>> -> memref<64x128xf32, #tpu.memory_space<hbm>>
      %dma_wait3A_192 = arith.constant 0 : i32
      %dma_wait3A_193 = tpu.memref_slice %arg9[%mul3A_2, %dma_wait3A_192] : memref<16384x128xf32, #tpu.memory_space<hbm>> -> memref<64x128xf32, #tpu.memory_space<hbm>>
      tpu.wait_dma2 semaphore(%arg33 : memref<!tpu.dma_semaphore, #tpu.memory_space<semaphore_mem>>) src(%arg16 : memref<64x128xf32, #tpu.memory_space<vmem>>) dst(%dma_wait3A_193 : memref<64x128xf32, #tpu.memory_space<hbm>>)
      %dma_wait3A_194 = arith.constant 0 : i32
      %dma_wait3A_195 = tpu.memref_slice %arg10[%mul3A_2, %dma_wait3A_194] : memref<16384x128xf32, #tpu.memory_space<hbm>> -> memref<64x128xf32, #tpu.memory_space<hbm>>
      %dma_wait3A_196 = arith.constant 0 : i32
      %dma_wait3A_197 = tpu.memref_slice %arg10[%mul3A_2, %dma_wait3A_196] : memref<16384x128xf32, #tpu.memory_space<hbm>> -> memref<64x128xf32, #tpu.memory_space<hbm>>
      tpu.wait_dma2 semaphore(%arg34 : memref<!tpu.dma_semaphore, #tpu.memory_space<semaphore_mem>>) src(%arg17 : memref<64x128xf32, #tpu.memory_space<vmem>>) dst(%dma_wait3A_197 : memref<64x128xf32, #tpu.memory_space<hbm>>)
      %dma_wait3A_198 = arith.constant 0 : i32
      %dma_wait3A_199 = tpu.memref_slice %arg11[%mul3A_2, %dma_wait3A_198] : memref<16384x128xf32, #tpu.memory_space<hbm>> -> memref<64x128xf32, #tpu.memory_space<hbm>>
      %dma_wait3A_200 = arith.constant 0 : i32
      %dma_wait3A_201 = tpu.memref_slice %arg11[%mul3A_2, %dma_wait3A_200] : memref<16384x128xf32, #tpu.memory_space<hbm>> -> memref<64x128xf32, #tpu.memory_space<hbm>>
      tpu.wait_dma2 semaphore(%arg35 : memref<!tpu.dma_semaphore, #tpu.memory_space<semaphore_mem>>) src(%arg18 : memref<64x128xf32, #tpu.memory_space<vmem>>) dst(%dma_wait3A_201 : memref<64x128xf32, #tpu.memory_space<hbm>>)
      %mul3A_202 = arith.constant 64 : i32
      %mul3A_203 = arith.muli %mul3A_183, %mul3A_202 : i32
      %mul3A_204 = arith.constant 64 : i32
      %mul3A_205 = arith.muli %mul3A_183, %mul3A_204 : i32
      %dma_start3A_206 = tpu.memref_slice %arg13[%mul3A_203] : memref<512xi32, #tpu.memory_space<vmem>> -> memref<64xi32, #tpu.memory_space<vmem>>
      %dma_start3A_207 = arith.constant 0 : i32
      %dma_start3A_208 = arith.constant 0 : i32
      %dma_start3A_209 = tpu.memref_slice %arg4[%dma_start3A_207, %dma_start3A_208] : memref<100000x128xf32, #tpu.memory_space<hbm>> -> memref<100000x128xf32, #tpu.memory_space<hbm>>
      tpu.enqueue_indirect_dma source(%dma_start3A_209 : memref<100000x128xf32, #tpu.memory_space<hbm>>) target(%arg15 : memref<64x128xf32, #tpu.memory_space<vmem>>) offsets(%dma_start3A_206 : memref<64xi32, #tpu.memory_space<vmem>>) semaphore(%arg24 : memref<!tpu.dma_semaphore, #tpu.memory_space<semaphore_mem>>)
      %dma_start3A_210 = tpu.memref_slice %arg14[%mul3A_205] : memref<512xi32, #tpu.memory_space<vmem>> -> memref<64xi32, #tpu.memory_space<vmem>>
      %dma_start3A_211 = arith.constant 0 : i32
      %dma_start3A_212 = arith.constant 0 : i32
      %dma_start3A_213 = tpu.memref_slice %arg5[%dma_start3A_211, %dma_start3A_212] : memref<100000x128xf32, #tpu.memory_space<hbm>> -> memref<100000x128xf32, #tpu.memory_space<hbm>>
      tpu.enqueue_indirect_dma source(%dma_start3A_213 : memref<100000x128xf32, #tpu.memory_space<hbm>>) target(%arg16 : memref<64x128xf32, #tpu.memory_space<vmem>>) offsets(%dma_start3A_210 : memref<64xi32, #tpu.memory_space<vmem>>) semaphore(%arg25 : memref<!tpu.dma_semaphore, #tpu.memory_space<semaphore_mem>>)
      %dma_start3A_214 = tpu.memref_slice %arg13[%mul3A_203] : memref<512xi32, #tpu.memory_space<vmem>> -> memref<64xi32, #tpu.memory_space<vmem>>
      %dma_start3A_215 = arith.constant 0 : i32
      %dma_start3A_216 = arith.constant 0 : i32
      %dma_start3A_217 = tpu.memref_slice %arg6[%dma_start3A_215, %dma_start3A_216] : memref<100000x128xf32, #tpu.memory_space<hbm>> -> memref<100000x128xf32, #tpu.memory_space<hbm>>
      tpu.enqueue_indirect_dma source(%dma_start3A_217 : memref<100000x128xf32, #tpu.memory_space<hbm>>) target(%arg17 : memref<64x128xf32, #tpu.memory_space<vmem>>) offsets(%dma_start3A_214 : memref<64xi32, #tpu.memory_space<vmem>>) semaphore(%arg26 : memref<!tpu.dma_semaphore, #tpu.memory_space<semaphore_mem>>)
      %dma_start3A_218 = tpu.memref_slice %arg14[%mul3A_205] : memref<512xi32, #tpu.memory_space<vmem>> -> memref<64xi32, #tpu.memory_space<vmem>>
      %dma_start3A_219 = arith.constant 0 : i32
      %dma_start3A_220 = arith.constant 0 : i32
      %dma_start3A_221 = tpu.memref_slice %arg7[%dma_start3A_219, %dma_start3A_220] : memref<100000x128xf32, #tpu.memory_space<hbm>> -> memref<100000x128xf32, #tpu.memory_space<hbm>>
      tpu.enqueue_indirect_dma source(%dma_start3A_221 : memref<100000x128xf32, #tpu.memory_space<hbm>>) target(%arg18 : memref<64x128xf32, #tpu.memory_space<vmem>>) offsets(%dma_start3A_218 : memref<64xi32, #tpu.memory_space<vmem>>) semaphore(%arg27 : memref<!tpu.dma_semaphore, #tpu.memory_space<semaphore_mem>>)
      %dma_wait3A_222 = arith.constant 0 : i32
      %dma_wait3A_223 = tpu.memref_slice %arg13[%dma_wait3A_222] : memref<512xi32, #tpu.memory_space<vmem>> -> memref<64xi32, #tpu.memory_space<vmem>>
      %dma_wait3A_224 = arith.constant 0 : i32
      %dma_wait3A_225 = arith.constant 0 : i32
      %dma_wait3A_226 = tpu.memref_slice %arg4[%dma_wait3A_224, %dma_wait3A_225] : memref<100000x128xf32, #tpu.memory_space<hbm>> -> memref<100000x128xf32, #tpu.memory_space<hbm>>
      tpu.wait_indirect_dma semaphore(%arg30 : memref<!tpu.dma_semaphore, #tpu.memory_space<semaphore_mem>>) src(%dma_wait3A_226 : memref<100000x128xf32, #tpu.memory_space<hbm>>) dst(%arg21 : memref<64x128xf32, #tpu.memory_space<vmem>>)
      %sub3A = arith.constant 1 : i32
      %sub3A_227 = arith.subi %mul3A_183, %sub3A : i32
      %mul3A_228 = arith.constant 64 : i32
      %mul3A_229 = arith.muli %sub3A_227, %mul3A_228 : i32
      %add3A_230 = arith.addi %mul3A_2, %mul3A_229 : i32
      %dma_start3A_231 = arith.constant 0 : i32
      %dma_start3A_232 = tpu.memref_slice %arg10[%add3A_230, %dma_start3A_231] : memref<16384x128xf32, #tpu.memory_space<hbm>> -> memref<64x128xf32, #tpu.memory_space<hbm>>
      %dma_start3A_233 = arith.constant 0 : i32
      %dma_start3A_234 = tpu.memref_slice %arg10[%add3A_230, %dma_start3A_233] : memref<16384x128xf32, #tpu.memory_space<hbm>> -> memref<64x128xf32, #tpu.memory_space<hbm>>
      tpu.enqueue_dma source(%arg21 : memref<64x128xf32, #tpu.memory_space<vmem>>) target(%dma_start3A_234 : memref<64x128xf32, #tpu.memory_space<hbm>>) target_semaphore(%arg38 : memref<!tpu.dma_semaphore, #tpu.memory_space<semaphore_mem>>)
      %dma_wait3A_235 = arith.constant 0 : i32
      %dma_wait3A_236 = tpu.memref_slice %arg13[%dma_wait3A_235] : memref<512xi32, #tpu.memory_space<vmem>> -> memref<64xi32, #tpu.memory_space<vmem>>
      %dma_wait3A_237 = arith.constant 0 : i32
      %dma_wait3A_238 = arith.constant 0 : i32
      %dma_wait3A_239 = tpu.memref_slice %arg4[%dma_wait3A_237, %dma_wait3A_238] : memref<100000x128xf32, #tpu.memory_space<hbm>> -> memref<100000x128xf32, #tpu.memory_space<hbm>>
      tpu.wait_indirect_dma semaphore(%arg31 : memref<!tpu.dma_semaphore, #tpu.memory_space<semaphore_mem>>) src(%dma_wait3A_239 : memref<100000x128xf32, #tpu.memory_space<hbm>>) dst(%arg22 : memref<64x128xf32, #tpu.memory_space<vmem>>)
      %sub3A_240 = arith.constant 1 : i32
      %sub3A_241 = arith.subi %mul3A_183, %sub3A_240 : i32
      %mul3A_242 = arith.constant 64 : i32
      %mul3A_243 = arith.muli %sub3A_241, %mul3A_242 : i32
      %add3A_244 = arith.addi %mul3A_2, %mul3A_243 : i32
      %dma_start3A_245 = arith.constant 0 : i32
      %dma_start3A_246 = tpu.memref_slice %arg11[%add3A_244, %dma_start3A_245] : memref<16384x128xf32, #tpu.memory_space<hbm>> -> memref<64x128xf32, #tpu.memory_space<hbm>>
      %dma_start3A_247 = arith.constant 0 : i32
      %dma_start3A_248 = tpu.memref_slice %arg11[%add3A_244, %dma_start3A_247] : memref<16384x128xf32, #tpu.memory_space<hbm>> -> memref<64x128xf32, #tpu.memory_space<hbm>>
      tpu.enqueue_dma source(%arg22 : memref<64x128xf32, #tpu.memory_space<vmem>>) target(%dma_start3A_248 : memref<64x128xf32, #tpu.memory_space<hbm>>) target_semaphore(%arg39 : memref<!tpu.dma_semaphore, #tpu.memory_space<semaphore_mem>>)
      %sub3A_249 = arith.constant 1 : i32
      %sub3A_250 = arith.subi %mul3A_183, %sub3A_249 : i32
      %broadcast_in_dim3A_251 = arith.constant 0.000000e+00 : f32
      %broadcast_in_dim3A_252 = vector.broadcast %broadcast_in_dim3A_251 : f32 to vector<16xf32>
      %scan3A_253 = arith.constant 0 : i32
      %scan3A_254 = arith.constant 32 : i32
      %scan3A_255 = arith.addi %scan3A_253, %scan3A_254 : i32
      %scan3A_256 = arith.constant 1 : i32
      %scan3A_257 = scf.for %scan3A_379 = %scan3A_253 to %scan3A_255 step %scan3A_256 iter_args(%scan3A_380 = %broadcast_in_dim3A_252) -> (vector<16xf32>)  : i32 {
        %iota3A = tpu.iota {dimensions = array<i32: 0>} : vector<16xi32>
        %jit3A = arith.constant 8 : i32
        %eq3A = arith.constant 0 : i32
        %eq3A_381 = arith.cmpi eq, %jit3A, %eq3A : i32
        %jit3A_382 = arith.constant 1 : i32
        %select_n3A = arith.select %eq3A_381, %jit3A_382, %jit3A : i32
        %rem3A = arith.remsi %scan3A_379, %select_n3A : i32
        %ne3A = arith.constant 0 : i32
        %ne3A_383 = arith.cmpi ne, %rem3A, %ne3A : i32
        %lt3A = arith.constant 0 : i32
        %lt3A_384 = arith.cmpi slt, %rem3A, %lt3A : i32
        %lt3A_385 = arith.constant 0 : i32
        %lt3A_386 = arith.cmpi slt, %select_n3A, %lt3A_385 : i32
        %ne3A_387 = arith.xori %lt3A_384, %lt3A_386 : i1
        %and3A = arith.andi %ne3A_387, %ne3A_383 : i1
        %add3A_388 = arith.addi %rem3A, %select_n3A : i32
        %select_n3A_389 = arith.select %and3A, %add3A_388, %rem3A : i32
        %mul3A_390 = arith.constant 2 : i32
        %mul3A_391 = arith.muli %select_n3A_389, %mul3A_390 : i32
        %mul3A_392 = arith.constant 2 : i32
        %mul3A_393 = arith.muli %scan3A_379, %mul3A_392 : i32
        %add3A_394 = arith.constant 0 : i32
        %add3A_395 = arith.addi %mul3A_393, %add3A_394 : i32
        %get3A = arith.index_cast %add3A_395 : i32 to index
        %get3A_396 = arith.constant 0 : index
        %get3A_397 = tpu.vector_load %arg21[%get3A, %get3A_396] {strides = array<i32>} : memref<64x128xf32, #tpu.memory_space<vmem>>, vector<16xf32>,
        %get3A_398 = arith.index_cast %add3A_395 : i32 to index
        %get3A_399 = arith.constant 0 : index
        %get3A_400 = tpu.vector_load %arg22[%get3A_398, %get3A_399] {strides = array<i32>} : memref<64x128xf32, #tpu.memory_space<vmem>>, vector<16xf32>,
        %mul3A_401 = arith.mulf %get3A_397, %get3A_400 : vector<16xf32>
        %get3A_402 = arith.index_cast %add3A_395 : i32 to index
        %get3A_403 = arith.constant 16 : index
        %get3A_404 = tpu.vector_load %arg21[%get3A_402, %get3A_403] {strides = array<i32>} : memref<64x128xf32, #tpu.memory_space<vmem>>, vector<16xf32>,
        %get3A_405 = arith.index_cast %add3A_395 : i32 to index
        %get3A_406 = arith.constant 16 : index
        %get3A_407 = tpu.vector_load %arg22[%get3A_405, %get3A_406] {strides = array<i32>} : memref<64x128xf32, #tpu.memory_space<vmem>>, vector<16xf32>,
        %mul3A_408 = arith.mulf %get3A_404, %get3A_407 : vector<16xf32>
        %add3A_409 = arith.addf %mul3A_401, %mul3A_408 : vector<16xf32>
        %get3A_410 = arith.index_cast %add3A_395 : i32 to index
        %get3A_411 = arith.constant 32 : index
        %get3A_412 = tpu.vector_load %arg21[%get3A_410, %get3A_411] {strides = array<i32>} : memref<64x128xf32, #tpu.memory_space<vmem>>, vector<16xf32>,
        %get3A_413 = arith.index_cast %add3A_395 : i32 to index
        %get3A_414 = arith.constant 32 : index
        %get3A_415 = tpu.vector_load %arg22[%get3A_413, %get3A_414] {strides = array<i32>} : memref<64x128xf32, #tpu.memory_space<vmem>>, vector<16xf32>,
        %mul3A_416 = arith.mulf %get3A_412, %get3A_415 : vector<16xf32>
        %add3A_417 = arith.addf %add3A_409, %mul3A_416 : vector<16xf32>
        %get3A_418 = arith.index_cast %add3A_395 : i32 to index
        %get3A_419 = arith.constant 48 : index
        %get3A_420 = tpu.vector_load %arg21[%get3A_418, %get3A_419] {strides = array<i32>} : memref<64x128xf32, #tpu.memory_space<vmem>>, vector<16xf32>,
        %get3A_421 = arith.index_cast %add3A_395 : i32 to index
        %get3A_422 = arith.constant 48 : index
        %get3A_423 = tpu.vector_load %arg22[%get3A_421, %get3A_422] {strides = array<i32>} : memref<64x128xf32, #tpu.memory_space<vmem>>, vector<16xf32>,
        %mul3A_424 = arith.mulf %get3A_420, %get3A_423 : vector<16xf32>
        %add3A_425 = arith.addf %add3A_417, %mul3A_424 : vector<16xf32>
        %get3A_426 = arith.index_cast %add3A_395 : i32 to index
        %get3A_427 = arith.constant 64 : index
        %get3A_428 = tpu.vector_load %arg21[%get3A_426, %get3A_427] {strides = array<i32>} : memref<64x128xf32, #tpu.memory_space<vmem>>, vector<16xf32>,
        %get3A_429 = arith.index_cast %add3A_395 : i32 to index
        %get3A_430 = arith.constant 64 : index
        %get3A_431 = tpu.vector_load %arg22[%get3A_429, %get3A_430] {strides = array<i32>} : memref<64x128xf32, #tpu.memory_space<vmem>>, vector<16xf32>,
        %mul3A_432 = arith.mulf %get3A_428, %get3A_431 : vector<16xf32>
        %add3A_433 = arith.addf %add3A_425, %mul3A_432 : vector<16xf32>
        %get3A_434 = arith.index_cast %add3A_395 : i32 to index
        %get3A_435 = arith.constant 80 : index
        %get3A_436 = tpu.vector_load %arg21[%get3A_434, %get3A_435] {strides = array<i32>} : memref<64x128xf32, #tpu.memory_space<vmem>>, vector<16xf32>,
        %get3A_437 = arith.index_cast %add3A_395 : i32 to index
        %get3A_438 = arith.constant 80 : index
        %get3A_439 = tpu.vector_load %arg22[%get3A_437, %get3A_438] {strides = array<i32>} : memref<64x128xf32, #tpu.memory_space<vmem>>, vector<16xf32>,
        %mul3A_440 = arith.mulf %get3A_436, %get3A_439 : vector<16xf32>
        %add3A_441 = arith.addf %add3A_433, %mul3A_440 : vector<16xf32>
        %get3A_442 = arith.index_cast %add3A_395 : i32 to index
        %get3A_443 = arith.constant 96 : index
        %get3A_444 = tpu.vector_load %arg21[%get3A_442, %get3A_443] {strides = array<i32>} : memref<64x128xf32, #tpu.memory_space<vmem>>, vector<16xf32>,
        %get3A_445 = arith.index_cast %add3A_395 : i32 to index
        %get3A_446 = arith.constant 96 : index
        %get3A_447 = tpu.vector_load %arg22[%get3A_445, %get3A_446] {strides = array<i32>} : memref<64x128xf32, #tpu.memory_space<vmem>>, vector<16xf32>,
        %mul3A_448 = arith.mulf %get3A_444, %get3A_447 : vector<16xf32>
        %add3A_449 = arith.addf %add3A_441, %mul3A_448 : vector<16xf32>
        %get3A_450 = arith.index_cast %add3A_395 : i32 to index
        %get3A_451 = arith.constant 112 : index
        %get3A_452 = tpu.vector_load %arg21[%get3A_450, %get3A_451] {strides = array<i32>} : memref<64x128xf32, #tpu.memory_space<vmem>>, vector<16xf32>,
        %get3A_453 = arith.index_cast %add3A_395 : i32 to index
        %get3A_454 = arith.constant 112 : index
        %get3A_455 = tpu.vector_load %arg22[%get3A_453, %get3A_454] {strides = array<i32>} : memref<64x128xf32, #tpu.memory_space<vmem>>, vector<16xf32>,
        %mul3A_456 = arith.mulf %get3A_452, %get3A_455 : vector<16xf32>
        %add3A_457 = arith.addf %add3A_449, %mul3A_456 : vector<16xf32>
        %add3A_458 = arith.constant 0 : i32
        %add3A_459 = arith.addi %mul3A_391, %add3A_458 : i32
        %eq3A_460 = vector.broadcast %add3A_459 : i32 to vector<16xi32>
        %eq3A_461 = arith.cmpi eq, %iota3A, %eq3A_460 : vector<16xi32>
        %reduce_sum3A = arith.constant true
        %reduce_sum3A_462 = vector.broadcast %reduce_sum3A : i1 to vector<16xi1>
        %reduce_sum3A_463 = tpu.scan <sum>, %add3A_457 masked %reduce_sum3A_462 : vector<16xf32>, vector<16xi1> -> vector<16xf32>
        %reduce_sum3A_464 = vector.extract %reduce_sum3A_463[15] : f32 from vector<16xf32>
        %broadcast_in_dim3A_465 = vector.broadcast %reduce_sum3A_464 : f32 to vector<16xf32>
        %select_n3A_466 = arith.select %eq3A_461, %broadcast_in_dim3A_465, %scan3A_380 : vector<16xi1>, vector<16xf32>
        %mul3A_467 = arith.constant 2 : i32
        %mul3A_468 = arith.muli %scan3A_379, %mul3A_467 : i32
        %add3A_469 = arith.constant 1 : i32
        %add3A_470 = arith.addi %mul3A_468, %add3A_469 : i32
        %get3A_471 = arith.index_cast %add3A_470 : i32 to index
        %get3A_472 = arith.constant 0 : index
        %get3A_473 = tpu.vector_load %arg21[%get3A_471, %get3A_472] {strides = array<i32>} : memref<64x128xf32, #tpu.memory_space<vmem>>, vector<16xf32>,
        %get3A_474 = arith.index_cast %add3A_470 : i32 to index
        %get3A_475 = arith.constant 0 : index
        %get3A_476 = tpu.vector_load %arg22[%get3A_474, %get3A_475] {strides = array<i32>} : memref<64x128xf32, #tpu.memory_space<vmem>>, vector<16xf32>,
        %mul3A_477 = arith.mulf %get3A_473, %get3A_476 : vector<16xf32>
        %get3A_478 = arith.index_cast %add3A_470 : i32 to index
        %get3A_479 = arith.constant 16 : index
        %get3A_480 = tpu.vector_load %arg21[%get3A_478, %get3A_479] {strides = array<i32>} : memref<64x128xf32, #tpu.memory_space<vmem>>, vector<16xf32>,
        %get3A_481 = arith.index_cast %add3A_470 : i32 to index
        %get3A_482 = arith.constant 16 : index
        %get3A_483 = tpu.vector_load %arg22[%get3A_481, %get3A_482] {strides = array<i32>} : memref<64x128xf32, #tpu.memory_space<vmem>>, vector<16xf32>,
        %mul3A_484 = arith.mulf %get3A_480, %get3A_483 : vector<16xf32>
        %add3A_485 = arith.addf %mul3A_477, %mul3A_484 : vector<16xf32>
        %get3A_486 = arith.index_cast %add3A_470 : i32 to index
        %get3A_487 = arith.constant 32 : index
        %get3A_488 = tpu.vector_load %arg21[%get3A_486, %get3A_487] {strides = array<i32>} : memref<64x128xf32, #tpu.memory_space<vmem>>, vector<16xf32>,
        %get3A_489 = arith.index_cast %add3A_470 : i32 to index
        %get3A_490 = arith.constant 32 : index
        %get3A_491 = tpu.vector_load %arg22[%get3A_489, %get3A_490] {strides = array<i32>} : memref<64x128xf32, #tpu.memory_space<vmem>>, vector<16xf32>,
        %mul3A_492 = arith.mulf %get3A_488, %get3A_491 : vector<16xf32>
        %add3A_493 = arith.addf %add3A_485, %mul3A_492 : vector<16xf32>
        %get3A_494 = arith.index_cast %add3A_470 : i32 to index
        %get3A_495 = arith.constant 48 : index
        %get3A_496 = tpu.vector_load %arg21[%get3A_494, %get3A_495] {strides = array<i32>} : memref<64x128xf32, #tpu.memory_space<vmem>>, vector<16xf32>,
        %get3A_497 = arith.index_cast %add3A_470 : i32 to index
        %get3A_498 = arith.constant 48 : index
        %get3A_499 = tpu.vector_load %arg22[%get3A_497, %get3A_498] {strides = array<i32>} : memref<64x128xf32, #tpu.memory_space<vmem>>, vector<16xf32>,
        %mul3A_500 = arith.mulf %get3A_496, %get3A_499 : vector<16xf32>
        %add3A_501 = arith.addf %add3A_493, %mul3A_500 : vector<16xf32>
        %get3A_502 = arith.index_cast %add3A_470 : i32 to index
        %get3A_503 = arith.constant 64 : index
        %get3A_504 = tpu.vector_load %arg21[%get3A_502, %get3A_503] {strides = array<i32>} : memref<64x128xf32, #tpu.memory_space<vmem>>, vector<16xf32>,
        %get3A_505 = arith.index_cast %add3A_470 : i32 to index
        %get3A_506 = arith.constant 64 : index
        %get3A_507 = tpu.vector_load %arg22[%get3A_505, %get3A_506] {strides = array<i32>} : memref<64x128xf32, #tpu.memory_space<vmem>>, vector<16xf32>,
        %mul3A_508 = arith.mulf %get3A_504, %get3A_507 : vector<16xf32>
        %add3A_509 = arith.addf %add3A_501, %mul3A_508 : vector<16xf32>
        %get3A_510 = arith.index_cast %add3A_470 : i32 to index
        %get3A_511 = arith.constant 80 : index
        %get3A_512 = tpu.vector_load %arg21[%get3A_510, %get3A_511] {strides = array<i32>} : memref<64x128xf32, #tpu.memory_space<vmem>>, vector<16xf32>,
        %get3A_513 = arith.index_cast %add3A_470 : i32 to index
        %get3A_514 = arith.constant 80 : index
        %get3A_515 = tpu.vector_load %arg22[%get3A_513, %get3A_514] {strides = array<i32>} : memref<64x128xf32, #tpu.memory_space<vmem>>, vector<16xf32>,
        %mul3A_516 = arith.mulf %get3A_512, %get3A_515 : vector<16xf32>
        %add3A_517 = arith.addf %add3A_509, %mul3A_516 : vector<16xf32>
        %get3A_518 = arith.index_cast %add3A_470 : i32 to index
        %get3A_519 = arith.constant 96 : index
        %get3A_520 = tpu.vector_load %arg21[%get3A_518, %get3A_519] {strides = array<i32>} : memref<64x128xf32, #tpu.memory_space<vmem>>, vector<16xf32>,
        %get3A_521 = arith.index_cast %add3A_470 : i32 to index
        %get3A_522 = arith.constant 96 : index
        %get3A_523 = tpu.vector_load %arg22[%get3A_521, %get3A_522] {strides = array<i32>} : memref<64x128xf32, #tpu.memory_space<vmem>>, vector<16xf32>,
        %mul3A_524 = arith.mulf %get3A_520, %get3A_523 : vector<16xf32>
        %add3A_525 = arith.addf %add3A_517, %mul3A_524 : vector<16xf32>
        %get3A_526 = arith.index_cast %add3A_470 : i32 to index
        %get3A_527 = arith.constant 112 : index
        %get3A_528 = tpu.vector_load %arg21[%get3A_526, %get3A_527] {strides = array<i32>} : memref<64x128xf32, #tpu.memory_space<vmem>>, vector<16xf32>,
        %get3A_529 = arith.index_cast %add3A_470 : i32 to index
        %get3A_530 = arith.constant 112 : index
        %get3A_531 = tpu.vector_load %arg22[%get3A_529, %get3A_530] {strides = array<i32>} : memref<64x128xf32, #tpu.memory_space<vmem>>, vector<16xf32>,
        %mul3A_532 = arith.mulf %get3A_528, %get3A_531 : vector<16xf32>
        %add3A_533 = arith.addf %add3A_525, %mul3A_532 : vector<16xf32>
        %add3A_534 = arith.constant 1 : i32
        %add3A_535 = arith.addi %mul3A_391, %add3A_534 : i32
        %eq3A_536 = vector.broadcast %add3A_535 : i32 to vector<16xi32>
        %eq3A_537 = arith.cmpi eq, %iota3A, %eq3A_536 : vector<16xi32>
        %reduce_sum3A_538 = arith.constant true
        %reduce_sum3A_539 = vector.broadcast %reduce_sum3A_538 : i1 to vector<16xi1>
        %reduce_sum3A_540 = tpu.scan <sum>, %add3A_533 masked %reduce_sum3A_539 : vector<16xf32>, vector<16xi1> -> vector<16xf32>
        %reduce_sum3A_541 = vector.extract %reduce_sum3A_540[15] : f32 from vector<16xf32>
        %broadcast_in_dim3A_542 = vector.broadcast %reduce_sum3A_541 : f32 to vector<16xf32>
        %select_n3A_543 = arith.select %eq3A_537, %broadcast_in_dim3A_542, %select_n3A_466 : vector<16xi1>, vector<16xf32>
        %mul3A_544 = arith.constant 64 : i32
        %mul3A_545 = arith.muli %sub3A_250, %mul3A_544 : i32
        %jit3A_546 = arith.constant 8 : i32
        %div3A = arith.divsi %scan3A_379, %jit3A_546 : i32
        %sign3A = arith.constant 0 : i32
        %sign3A_547 = arith.cmpi sgt, %scan3A_379, %sign3A : i32
        %sign3A_548 = arith.extui %sign3A_547 : i1 to i32
        %sign3A_549 = arith.constant 0 : i32
        %sign3A_550 = arith.cmpi slt, %scan3A_379, %sign3A_549 : i32
        %sign3A_551 = arith.extui %sign3A_550 : i1 to i32
        %sign3A_552 = arith.subi %sign3A_548, %sign3A_551 : i32
        %sign3A_553 = arith.constant 0 : i32
        %sign3A_554 = arith.cmpi sgt, %jit3A_546, %sign3A_553 : i32
        %sign3A_555 = arith.extui %sign3A_554 : i1 to i32
        %sign3A_556 = arith.constant 0 : i32
        %sign3A_557 = arith.cmpi slt, %jit3A_546, %sign3A_556 : i32
        %sign3A_558 = arith.extui %sign3A_557 : i1 to i32
        %sign3A_559 = arith.subi %sign3A_555, %sign3A_558 : i32
        %ne3A_560 = arith.cmpi ne, %sign3A_552, %sign3A_559 : i32
        %rem3A_561 = arith.remsi %scan3A_379, %jit3A_546 : i32
        %ne3A_562 = arith.constant 0 : i32
        %ne3A_563 = arith.cmpi ne, %rem3A_561, %ne3A_562 : i32
        %and3A_564 = arith.andi %ne3A_560, %ne3A_563 : i1
        %sub3A_565 = arith.constant 1 : i32
        %sub3A_566 = arith.subi %div3A, %sub3A_565 : i32
        %select_n3A_567 = arith.select %and3A_564, %sub3A_566, %div3A : i32
        %mul3A_568 = arith.constant 16 : i32
        %mul3A_569 = arith.muli %select_n3A_567, %mul3A_568 : i32
        %add3A_570 = arith.addi %mul3A_545, %mul3A_569 : i32
        %swap3A = arith.index_cast %add3A_570 : i32 to index
        %swap3A_571 = tpu.vector_load %arg23[%swap3A] {strides = array<i32>} : memref<512xf32, #tpu.memory_space<vmem>>, vector<16xf32>,
        tpu.vector_store %arg23[%swap3A], %select_n3A_543 {strides = array<i32>} : memref<512xf32, #tpu.memory_space<vmem>>, vector<16xf32>,
        %jit3A_572 = arith.constant 8 : i32
        %eq3A_573 = arith.constant 0 : i32
        %eq3A_574 = arith.cmpi eq, %jit3A_572, %eq3A_573 : i32
        %jit3A_575 = arith.constant 1 : i32
        %select_n3A_576 = arith.select %eq3A_574, %jit3A_575, %jit3A_572 : i32
        %rem3A_577 = arith.remsi %scan3A_379, %select_n3A_576 : i32
        %ne3A_578 = arith.constant 0 : i32
        %ne3A_579 = arith.cmpi ne, %rem3A_577, %ne3A_578 : i32
        %lt3A_580 = arith.constant 0 : i32
        %lt3A_581 = arith.cmpi slt, %rem3A_577, %lt3A_580 : i32
        %lt3A_582 = arith.constant 0 : i32
        %lt3A_583 = arith.cmpi slt, %select_n3A_576, %lt3A_582 : i32
        %ne3A_584 = arith.xori %lt3A_581, %lt3A_583 : i1
        %and3A_585 = arith.andi %ne3A_584, %ne3A_579 : i1
        %add3A_586 = arith.addi %rem3A_577, %select_n3A_576 : i32
        %select_n3A_587 = arith.select %and3A_585, %add3A_586, %rem3A_577 : i32
        %eq3A_588 = arith.constant 7 : i32
        %eq3A_589 = arith.cmpi eq, %select_n3A_587, %eq3A_588 : i32
        %jit3A_590 = arith.constant 0.000000e+00 : f32
        %jit3A_591 = arith.constant 1.000000e+00 : f32
        %select_n3A_592 = arith.select %eq3A_589, %jit3A_590, %jit3A_591 : f32
        %mul3A_593 = vector.broadcast %select_n3A_592 : f32 to vector<16xf32>
        %mul3A_594 = arith.mulf %select_n3A_543, %mul3A_593 : vector<16xf32>
        scf.yield %mul3A_594 : vector<16xf32>
      }
      %scan3A_258 = arith.constant 32 : i32
      %dma_wait3A_259 = arith.constant 0 : i32
      %dma_wait3A_260 = tpu.memref_slice %arg13[%dma_wait3A_259] : memref<512xi32, #tpu.memory_space<vmem>> -> memref<64xi32, #tpu.memory_space<vmem>>
      %dma_wait3A_261 = arith.constant 0 : i32
      %dma_wait3A_262 = arith.constant 0 : i32
      %dma_wait3A_263 = tpu.memref_slice %arg4[%dma_wait3A_261, %dma_wait3A_262] : memref<100000x128xf32, #tpu.memory_space<hbm>> -> memref<100000x128xf32, #tpu.memory_space<hbm>>
      tpu.wait_indirect_dma semaphore(%arg28 : memref<!tpu.dma_semaphore, #tpu.memory_space<semaphore_mem>>) src(%dma_wait3A_263 : memref<100000x128xf32, #tpu.memory_space<hbm>>) dst(%arg19 : memref<64x128xf32, #tpu.memory_space<vmem>>)
      %sub3A_264 = arith.constant 1 : i32
      %sub3A_265 = arith.subi %mul3A_183, %sub3A_264 : i32
      %mul3A_266 = arith.constant 64 : i32
      %mul3A_267 = arith.muli %sub3A_265, %mul3A_266 : i32
      %add3A_268 = arith.addi %mul3A_2, %mul3A_267 : i32
      %dma_start3A_269 = arith.constant 0 : i32
      %dma_start3A_270 = tpu.memref_slice %arg8[%add3A_268, %dma_start3A_269] : memref<16384x128xf32, #tpu.memory_space<hbm>> -> memref<64x128xf32, #tpu.memory_space<hbm>>
      %dma_start3A_271 = arith.constant 0 : i32
      %dma_start3A_272 = tpu.memref_slice %arg8[%add3A_268, %dma_start3A_271] : memref<16384x128xf32, #tpu.memory_space<hbm>> -> memref<64x128xf32, #tpu.memory_space<hbm>>
      tpu.enqueue_dma source(%arg19 : memref<64x128xf32, #tpu.memory_space<vmem>>) target(%dma_start3A_272 : memref<64x128xf32, #tpu.memory_space<hbm>>) target_semaphore(%arg36 : memref<!tpu.dma_semaphore, #tpu.memory_space<semaphore_mem>>)
      %dma_wait3A_273 = arith.constant 0 : i32
      %dma_wait3A_274 = tpu.memref_slice %arg13[%dma_wait3A_273] : memref<512xi32, #tpu.memory_space<vmem>> -> memref<64xi32, #tpu.memory_space<vmem>>
      %dma_wait3A_275 = arith.constant 0 : i32
      %dma_wait3A_276 = arith.constant 0 : i32
      %dma_wait3A_277 = tpu.memref_slice %arg4[%dma_wait3A_275, %dma_wait3A_276] : memref<100000x128xf32, #tpu.memory_space<hbm>> -> memref<100000x128xf32, #tpu.memory_space<hbm>>
      tpu.wait_indirect_dma semaphore(%arg29 : memref<!tpu.dma_semaphore, #tpu.memory_space<semaphore_mem>>) src(%dma_wait3A_277 : memref<100000x128xf32, #tpu.memory_space<hbm>>) dst(%arg20 : memref<64x128xf32, #tpu.memory_space<vmem>>)
      %sub3A_278 = arith.constant 1 : i32
      %sub3A_279 = arith.subi %mul3A_183, %sub3A_278 : i32
      %mul3A_280 = arith.constant 64 : i32
      %mul3A_281 = arith.muli %sub3A_279, %mul3A_280 : i32
      %add3A_282 = arith.addi %mul3A_2, %mul3A_281 : i32
      %dma_start3A_283 = arith.constant 0 : i32
      %dma_start3A_284 = tpu.memref_slice %arg9[%add3A_282, %dma_start3A_283] : memref<16384x128xf32, #tpu.memory_space<hbm>> -> memref<64x128xf32, #tpu.memory_space<hbm>>
      %dma_start3A_285 = arith.constant 0 : i32
      %dma_start3A_286 = tpu.memref_slice %arg9[%add3A_282, %dma_start3A_285] : memref<16384x128xf32, #tpu.memory_space<hbm>> -> memref<64x128xf32, #tpu.memory_space<hbm>>
      tpu.enqueue_dma source(%arg20 : memref<64x128xf32, #tpu.memory_space<vmem>>) target(%dma_start3A_286 : memref<64x128xf32, #tpu.memory_space<hbm>>) target_semaphore(%arg37 : memref<!tpu.dma_semaphore, #tpu.memory_space<semaphore_mem>>)
      %dma_wait3A_287 = arith.constant 0 : i32
      %dma_wait3A_288 = tpu.memref_slice %arg8[%mul3A_2, %dma_wait3A_287] : memref<16384x128xf32, #tpu.memory_space<hbm>> -> memref<64x128xf32, #tpu.memory_space<hbm>>
      %dma_wait3A_289 = arith.constant 0 : i32
      %dma_wait3A_290 = tpu.memref_slice %arg8[%mul3A_2, %dma_wait3A_289] : memref<16384x128xf32, #tpu.memory_space<hbm>> -> memref<64x128xf32, #tpu.memory_space<hbm>>
      tpu.wait_dma2 semaphore(%arg36 : memref<!tpu.dma_semaphore, #tpu.memory_space<semaphore_mem>>) src(%arg19 : memref<64x128xf32, #tpu.memory_space<vmem>>) dst(%dma_wait3A_290 : memref<64x128xf32, #tpu.memory_space<hbm>>)
      %dma_wait3A_291 = arith.constant 0 : i32
      %dma_wait3A_292 = tpu.memref_slice %arg9[%mul3A_2, %dma_wait3A_291] : memref<16384x128xf32, #tpu.memory_space<hbm>> -> memref<64x128xf32, #tpu.memory_space<hbm>>
      %dma_wait3A_293 = arith.constant 0 : i32
      %dma_wait3A_294 = tpu.memref_slice %arg9[%mul3A_2, %dma_wait3A_293] : memref<16384x128xf32, #tpu.memory_space<hbm>> -> memref<64x128xf32, #tpu.memory_space<hbm>>
      tpu.wait_dma2 semaphore(%arg37 : memref<!tpu.dma_semaphore, #tpu.memory_space<semaphore_mem>>) src(%arg20 : memref<64x128xf32, #tpu.memory_space<vmem>>) dst(%dma_wait3A_294 : memref<64x128xf32, #tpu.memory_space<hbm>>)
      %dma_wait3A_295 = arith.constant 0 : i32
      %dma_wait3A_296 = tpu.memref_slice %arg10[%mul3A_2, %dma_wait3A_295] : memref<16384x128xf32, #tpu.memory_space<hbm>> -> memref<64x128xf32, #tpu.memory_space<hbm>>
      %dma_wait3A_297 = arith.constant 0 : i32
      %dma_wait3A_298 = tpu.memref_slice %arg10[%mul3A_2, %dma_wait3A_297] : memref<16384x128xf32, #tpu.memory_space<hbm>> -> memref<64x128xf32, #tpu.memory_space<hbm>>
      tpu.wait_dma2 semaphore(%arg38 : memref<!tpu.dma_semaphore, #tpu.memory_space<semaphore_mem>>) src(%arg21 : memref<64x128xf32, #tpu.memory_space<vmem>>) dst(%dma_wait3A_298 : memref<64x128xf32, #tpu.memory_space<hbm>>)
      %dma_wait3A_299 = arith.constant 0 : i32
      %dma_wait3A_300 = tpu.memref_slice %arg11[%mul3A_2, %dma_wait3A_299] : memref<16384x128xf32, #tpu.memory_space<hbm>> -> memref<64x128xf32, #tpu.memory_space<hbm>>
      %dma_wait3A_301 = arith.constant 0 : i32
      %dma_wait3A_302 = tpu.memref_slice %arg11[%mul3A_2, %dma_wait3A_301] : memref<16384x128xf32, #tpu.memory_space<hbm>> -> memref<64x128xf32, #tpu.memory_space<hbm>>
      tpu.wait_dma2 semaphore(%arg39 : memref<!tpu.dma_semaphore, #tpu.memory_space<semaphore_mem>>) src(%arg22 : memref<64x128xf32, #tpu.memory_space<vmem>>) dst(%dma_wait3A_302 : memref<64x128xf32, #tpu.memory_space<hbm>>)
      %mul3A_303 = arith.constant 64 : i32
      %mul3A_304 = arith.muli %add3A_185, %mul3A_303 : i32
      %mul3A_305 = arith.constant 64 : i32
      %mul3A_306 = arith.muli %add3A_185, %mul3A_305 : i32
      %dma_start3A_307 = tpu.memref_slice %arg13[%mul3A_304] : memref<512xi32, #tpu.memory_space<vmem>> -> memref<64xi32, #tpu.memory_space<vmem>>
      %dma_start3A_308 = arith.constant 0 : i32
      %dma_start3A_309 = arith.constant 0 : i32
      %dma_start3A_310 = tpu.memref_slice %arg4[%dma_start3A_308, %dma_start3A_309] : memref<100000x128xf32, #tpu.memory_space<hbm>> -> memref<100000x128xf32, #tpu.memory_space<hbm>>
      tpu.enqueue_indirect_dma source(%dma_start3A_310 : memref<100000x128xf32, #tpu.memory_space<hbm>>) target(%arg19 : memref<64x128xf32, #tpu.memory_space<vmem>>) offsets(%dma_start3A_307 : memref<64xi32, #tpu.memory_space<vmem>>) semaphore(%arg28 : memref<!tpu.dma_semaphore, #tpu.memory_space<semaphore_mem>>)
      %dma_start3A_311 = tpu.memref_slice %arg14[%mul3A_306] : memref<512xi32, #tpu.memory_space<vmem>> -> memref<64xi32, #tpu.memory_space<vmem>>
      %dma_start3A_312 = arith.constant 0 : i32
      %dma_start3A_313 = arith.constant 0 : i32
      %dma_start3A_314 = tpu.memref_slice %arg5[%dma_start3A_312, %dma_start3A_313] : memref<100000x128xf32, #tpu.memory_space<hbm>> -> memref<100000x128xf32, #tpu.memory_space<hbm>>
      tpu.enqueue_indirect_dma source(%dma_start3A_314 : memref<100000x128xf32, #tpu.memory_space<hbm>>) target(%arg20 : memref<64x128xf32, #tpu.memory_space<vmem>>) offsets(%dma_start3A_311 : memref<64xi32, #tpu.memory_space<vmem>>) semaphore(%arg29 : memref<!tpu.dma_semaphore, #tpu.memory_space<semaphore_mem>>)
      %dma_start3A_315 = tpu.memref_slice %arg13[%mul3A_304] : memref<512xi32, #tpu.memory_space<vmem>> -> memref<64xi32, #tpu.memory_space<vmem>>
      %dma_start3A_316 = arith.constant 0 : i32
      %dma_start3A_317 = arith.constant 0 : i32
      %dma_start3A_318 = tpu.memref_slice %arg6[%dma_start3A_316, %dma_start3A_317] : memref<100000x128xf32, #tpu.memory_space<hbm>> -> memref<100000x128xf32, #tpu.memory_space<hbm>>
      tpu.enqueue_indirect_dma source(%dma_start3A_318 : memref<100000x128xf32, #tpu.memory_space<hbm>>) target(%arg21 : memref<64x128xf32, #tpu.memory_space<vmem>>) offsets(%dma_start3A_315 : memref<64xi32, #tpu.memory_space<vmem>>) semaphore(%arg30 : memref<!tpu.dma_semaphore, #tpu.memory_space<semaphore_mem>>)
      %dma_start3A_319 = tpu.memref_slice %arg14[%mul3A_306] : memref<512xi32, #tpu.memory_space<vmem>> -> memref<64xi32, #tpu.memory_space<vmem>>
      %dma_start3A_320 = arith.constant 0 : i32
      %dma_start3A_321 = arith.constant 0 : i32
      %dma_start3A_322 = tpu.memref_slice %arg7[%dma_start3A_320, %dma_start3A_321] : memref<100000x128xf32, #tpu.memory_space<hbm>> -> memref<100000x128xf32, #tpu.memory_space<hbm>>
      tpu.enqueue_indirect_dma source(%dma_start3A_322 : memref<100000x128xf32, #tpu.memory_space<hbm>>) target(%arg22 : memref<64x128xf32, #tpu.memory_space<vmem>>) offsets(%dma_start3A_319 : memref<64xi32, #tpu.memory_space<vmem>>) semaphore(%arg31 : memref<!tpu.dma_semaphore, #tpu.memory_space<semaphore_mem>>)
      %dma_wait3A_323 = arith.constant 0 : i32
      %dma_wait3A_324 = tpu.memref_slice %arg13[%dma_wait3A_323] : memref<512xi32, #tpu.memory_space<vmem>> -> memref<64xi32, #tpu.memory_space<vmem>>
      %dma_wait3A_325 = arith.constant 0 : i32
      %dma_wait3A_326 = arith.constant 0 : i32
      %dma_wait3A_327 = tpu.memref_slice %arg4[%dma_wait3A_325, %dma_wait3A_326] : memref<100000x128xf32, #tpu.memory_space<hbm>> -> memref<100000x128xf32, #tpu.memory_space<hbm>>
      tpu.wait_indirect_dma semaphore(%arg26 : memref<!tpu.dma_semaphore, #tpu.memory_space<semaphore_mem>>) src(%dma_wait3A_327 : memref<100000x128xf32, #tpu.memory_space<hbm>>) dst(%arg17 : memref<64x128xf32, #tpu.memory_space<vmem>>)
      %mul3A_328 = arith.constant 64 : i32
      %mul3A_329 = arith.muli %mul3A_183, %mul3A_328 : i32
      %add3A_330 = arith.addi %mul3A_2, %mul3A_329 : i32
      %dma_start3A_331 = arith.constant 0 : i32
      %dma_start3A_332 = tpu.memref_slice %arg10[%add3A_330, %dma_start3A_331] : memref<16384x128xf32, #tpu.memory_space<hbm>> -> memref<64x128xf32, #tpu.memory_space<hbm>>
      %dma_start3A_333 = arith.constant 0 : i32
      %dma_start3A_334 = tpu.memref_slice %arg10[%add3A_330, %dma_start3A_333] : memref<16384x128xf32, #tpu.memory_space<hbm>> -> memref<64x128xf32, #tpu.memory_space<hbm>>
      tpu.enqueue_dma source(%arg17 : memref<64x128xf32, #tpu.memory_space<vmem>>) target(%dma_start3A_334 : memref<64x128xf32, #tpu.memory_space<hbm>>) target_semaphore(%arg34 : memref<!tpu.dma_semaphore, #tpu.memory_space<semaphore_mem>>)
      %dma_wait3A_335 = arith.constant 0 : i32
      %dma_wait3A_336 = tpu.memref_slice %arg13[%dma_wait3A_335] : memref<512xi32, #tpu.memory_space<vmem>> -> memref<64xi32, #tpu.memory_space<vmem>>
      %dma_wait3A_337 = arith.constant 0 : i32
      %dma_wait3A_338 = arith.constant 0 : i32
      %dma_wait3A_339 = tpu.memref_slice %arg4[%dma_wait3A_337, %dma_wait3A_338] : memref<100000x128xf32, #tpu.memory_space<hbm>> -> memref<100000x128xf32, #tpu.memory_space<hbm>>
      tpu.wait_indirect_dma semaphore(%arg27 : memref<!tpu.dma_semaphore, #tpu.memory_space<semaphore_mem>>) src(%dma_wait3A_339 : memref<100000x128xf32, #tpu.memory_space<hbm>>) dst(%arg18 : memref<64x128xf32, #tpu.memory_space<vmem>>)
      %mul3A_340 = arith.constant 64 : i32
      %mul3A_341 = arith.muli %mul3A_183, %mul3A_340 : i32
      %add3A_342 = arith.addi %mul3A_2, %mul3A_341 : i32
      %dma_start3A_343 = arith.constant 0 : i32
      %dma_start3A_344 = tpu.memref_slice %arg11[%add3A_342, %dma_start3A_343] : memref<16384x128xf32, #tpu.memory_space<hbm>> -> memref<64x128xf32, #tpu.memory_space<hbm>>
      %dma_start3A_345 = arith.constant 0 : i32
      %dma_start3A_346 = tpu.memref_slice %arg11[%add3A_342, %dma_start3A_345] : memref<16384x128xf32, #tpu.memory_space<hbm>> -> memref<64x128xf32, #tpu.memory_space<hbm>>
      tpu.enqueue_dma source(%arg18 : memref<64x128xf32, #tpu.memory_space<vmem>>) target(%dma_start3A_346 : memref<64x128xf32, #tpu.memory_space<hbm>>) target_semaphore(%arg35 : memref<!tpu.dma_semaphore, #tpu.memory_space<semaphore_mem>>)
      %broadcast_in_dim3A_347 = arith.constant 0.000000e+00 : f32
      %broadcast_in_dim3A_348 = vector.broadcast %broadcast_in_dim3A_347 : f32 to vector<16xf32>
      %scan3A_349 = arith.constant 0 : i32
      %scan3A_350 = arith.constant 32 : i32
      %scan3A_351 = arith.addi %scan3A_349, %scan3A_350 : i32
      %scan3A_352 = arith.constant 1 : i32
      %scan3A_353 = scf.for %scan3A_379 = %scan3A_349 to %scan3A_351 step %scan3A_352 iter_args(%scan3A_380 = %broadcast_in_dim3A_348) -> (vector<16xf32>)  : i32 {
        %iota3A = tpu.iota {dimensions = array<i32: 0>} : vector<16xi32>
        %jit3A = arith.constant 8 : i32
        %eq3A = arith.constant 0 : i32
        %eq3A_381 = arith.cmpi eq, %jit3A, %eq3A : i32
        %jit3A_382 = arith.constant 1 : i32
        %select_n3A = arith.select %eq3A_381, %jit3A_382, %jit3A : i32
        %rem3A = arith.remsi %scan3A_379, %select_n3A : i32
        %ne3A = arith.constant 0 : i32
        %ne3A_383 = arith.cmpi ne, %rem3A, %ne3A : i32
        %lt3A = arith.constant 0 : i32
        %lt3A_384 = arith.cmpi slt, %rem3A, %lt3A : i32
        %lt3A_385 = arith.constant 0 : i32
        %lt3A_386 = arith.cmpi slt, %select_n3A, %lt3A_385 : i32
        %ne3A_387 = arith.xori %lt3A_384, %lt3A_386 : i1
        %and3A = arith.andi %ne3A_387, %ne3A_383 : i1
        %add3A_388 = arith.addi %rem3A, %select_n3A : i32
        %select_n3A_389 = arith.select %and3A, %add3A_388, %rem3A : i32
        %mul3A_390 = arith.constant 2 : i32
        %mul3A_391 = arith.muli %select_n3A_389, %mul3A_390 : i32
        %mul3A_392 = arith.constant 2 : i32
        %mul3A_393 = arith.muli %scan3A_379, %mul3A_392 : i32
        %add3A_394 = arith.constant 0 : i32
        %add3A_395 = arith.addi %mul3A_393, %add3A_394 : i32
        %get3A = arith.index_cast %add3A_395 : i32 to index
        %get3A_396 = arith.constant 0 : index
        %get3A_397 = tpu.vector_load %arg17[%get3A, %get3A_396] {strides = array<i32>} : memref<64x128xf32, #tpu.memory_space<vmem>>, vector<16xf32>,
        %get3A_398 = arith.index_cast %add3A_395 : i32 to index
        %get3A_399 = arith.constant 0 : index
        %get3A_400 = tpu.vector_load %arg18[%get3A_398, %get3A_399] {strides = array<i32>} : memref<64x128xf32, #tpu.memory_space<vmem>>, vector<16xf32>,
        %mul3A_401 = arith.mulf %get3A_397, %get3A_400 : vector<16xf32>
        %get3A_402 = arith.index_cast %add3A_395 : i32 to index
        %get3A_403 = arith.constant 16 : index
        %get3A_404 = tpu.vector_load %arg17[%get3A_402, %get3A_403] {strides = array<i32>} : memref<64x128xf32, #tpu.memory_space<vmem>>, vector<16xf32>,
        %get3A_405 = arith.index_cast %add3A_395 : i32 to index
        %get3A_406 = arith.constant 16 : index
        %get3A_407 = tpu.vector_load %arg18[%get3A_405, %get3A_406] {strides = array<i32>} : memref<64x128xf32, #tpu.memory_space<vmem>>, vector<16xf32>,
        %mul3A_408 = arith.mulf %get3A_404, %get3A_407 : vector<16xf32>
        %add3A_409 = arith.addf %mul3A_401, %mul3A_408 : vector<16xf32>
        %get3A_410 = arith.index_cast %add3A_395 : i32 to index
        %get3A_411 = arith.constant 32 : index
        %get3A_412 = tpu.vector_load %arg17[%get3A_410, %get3A_411] {strides = array<i32>} : memref<64x128xf32, #tpu.memory_space<vmem>>, vector<16xf32>,
        %get3A_413 = arith.index_cast %add3A_395 : i32 to index
        %get3A_414 = arith.constant 32 : index
        %get3A_415 = tpu.vector_load %arg18[%get3A_413, %get3A_414] {strides = array<i32>} : memref<64x128xf32, #tpu.memory_space<vmem>>, vector<16xf32>,
        %mul3A_416 = arith.mulf %get3A_412, %get3A_415 : vector<16xf32>
        %add3A_417 = arith.addf %add3A_409, %mul3A_416 : vector<16xf32>
        %get3A_418 = arith.index_cast %add3A_395 : i32 to index
        %get3A_419 = arith.constant 48 : index
        %get3A_420 = tpu.vector_load %arg17[%get3A_418, %get3A_419] {strides = array<i32>} : memref<64x128xf32, #tpu.memory_space<vmem>>, vector<16xf32>,
        %get3A_421 = arith.index_cast %add3A_395 : i32 to index
        %get3A_422 = arith.constant 48 : index
        %get3A_423 = tpu.vector_load %arg18[%get3A_421, %get3A_422] {strides = array<i32>} : memref<64x128xf32, #tpu.memory_space<vmem>>, vector<16xf32>,
        %mul3A_424 = arith.mulf %get3A_420, %get3A_423 : vector<16xf32>
        %add3A_425 = arith.addf %add3A_417, %mul3A_424 : vector<16xf32>
        %get3A_426 = arith.index_cast %add3A_395 : i32 to index
        %get3A_427 = arith.constant 64 : index
        %get3A_428 = tpu.vector_load %arg17[%get3A_426, %get3A_427] {strides = array<i32>} : memref<64x128xf32, #tpu.memory_space<vmem>>, vector<16xf32>,
        %get3A_429 = arith.index_cast %add3A_395 : i32 to index
        %get3A_430 = arith.constant 64 : index
        %get3A_431 = tpu.vector_load %arg18[%get3A_429, %get3A_430] {strides = array<i32>} : memref<64x128xf32, #tpu.memory_space<vmem>>, vector<16xf32>,
        %mul3A_432 = arith.mulf %get3A_428, %get3A_431 : vector<16xf32>
        %add3A_433 = arith.addf %add3A_425, %mul3A_432 : vector<16xf32>
        %get3A_434 = arith.index_cast %add3A_395 : i32 to index
        %get3A_435 = arith.constant 80 : index
        %get3A_436 = tpu.vector_load %arg17[%get3A_434, %get3A_435] {strides = array<i32>} : memref<64x128xf32, #tpu.memory_space<vmem>>, vector<16xf32>,
        %get3A_437 = arith.index_cast %add3A_395 : i32 to index
        %get3A_438 = arith.constant 80 : index
        %get3A_439 = tpu.vector_load %arg18[%get3A_437, %get3A_438] {strides = array<i32>} : memref<64x128xf32, #tpu.memory_space<vmem>>, vector<16xf32>,
        %mul3A_440 = arith.mulf %get3A_436, %get3A_439 : vector<16xf32>
        %add3A_441 = arith.addf %add3A_433, %mul3A_440 : vector<16xf32>
        %get3A_442 = arith.index_cast %add3A_395 : i32 to index
        %get3A_443 = arith.constant 96 : index
        %get3A_444 = tpu.vector_load %arg17[%get3A_442, %get3A_443] {strides = array<i32>} : memref<64x128xf32, #tpu.memory_space<vmem>>, vector<16xf32>,
        %get3A_445 = arith.index_cast %add3A_395 : i32 to index
        %get3A_446 = arith.constant 96 : index
        %get3A_447 = tpu.vector_load %arg18[%get3A_445, %get3A_446] {strides = array<i32>} : memref<64x128xf32, #tpu.memory_space<vmem>>, vector<16xf32>,
        %mul3A_448 = arith.mulf %get3A_444, %get3A_447 : vector<16xf32>
        %add3A_449 = arith.addf %add3A_441, %mul3A_448 : vector<16xf32>
        %get3A_450 = arith.index_cast %add3A_395 : i32 to index
        %get3A_451 = arith.constant 112 : index
        %get3A_452 = tpu.vector_load %arg17[%get3A_450, %get3A_451] {strides = array<i32>} : memref<64x128xf32, #tpu.memory_space<vmem>>, vector<16xf32>,
        %get3A_453 = arith.index_cast %add3A_395 : i32 to index
        %get3A_454 = arith.constant 112 : index
        %get3A_455 = tpu.vector_load %arg18[%get3A_453, %get3A_454] {strides = array<i32>} : memref<64x128xf32, #tpu.memory_space<vmem>>, vector<16xf32>,
        %mul3A_456 = arith.mulf %get3A_452, %get3A_455 : vector<16xf32>
        %add3A_457 = arith.addf %add3A_449, %mul3A_456 : vector<16xf32>
        %add3A_458 = arith.constant 0 : i32
        %add3A_459 = arith.addi %mul3A_391, %add3A_458 : i32
        %eq3A_460 = vector.broadcast %add3A_459 : i32 to vector<16xi32>
        %eq3A_461 = arith.cmpi eq, %iota3A, %eq3A_460 : vector<16xi32>
        %reduce_sum3A = arith.constant true
        %reduce_sum3A_462 = vector.broadcast %reduce_sum3A : i1 to vector<16xi1>
        %reduce_sum3A_463 = tpu.scan <sum>, %add3A_457 masked %reduce_sum3A_462 : vector<16xf32>, vector<16xi1> -> vector<16xf32>
        %reduce_sum3A_464 = vector.extract %reduce_sum3A_463[15] : f32 from vector<16xf32>
        %broadcast_in_dim3A_465 = vector.broadcast %reduce_sum3A_464 : f32 to vector<16xf32>
        %select_n3A_466 = arith.select %eq3A_461, %broadcast_in_dim3A_465, %scan3A_380 : vector<16xi1>, vector<16xf32>
        %mul3A_467 = arith.constant 2 : i32
        %mul3A_468 = arith.muli %scan3A_379, %mul3A_467 : i32
        %add3A_469 = arith.constant 1 : i32
        %add3A_470 = arith.addi %mul3A_468, %add3A_469 : i32
        %get3A_471 = arith.index_cast %add3A_470 : i32 to index
        %get3A_472 = arith.constant 0 : index
        %get3A_473 = tpu.vector_load %arg17[%get3A_471, %get3A_472] {strides = array<i32>} : memref<64x128xf32, #tpu.memory_space<vmem>>, vector<16xf32>,
        %get3A_474 = arith.index_cast %add3A_470 : i32 to index
        %get3A_475 = arith.constant 0 : index
        %get3A_476 = tpu.vector_load %arg18[%get3A_474, %get3A_475] {strides = array<i32>} : memref<64x128xf32, #tpu.memory_space<vmem>>, vector<16xf32>,
        %mul3A_477 = arith.mulf %get3A_473, %get3A_476 : vector<16xf32>
        %get3A_478 = arith.index_cast %add3A_470 : i32 to index
        %get3A_479 = arith.constant 16 : index
        %get3A_480 = tpu.vector_load %arg17[%get3A_478, %get3A_479] {strides = array<i32>} : memref<64x128xf32, #tpu.memory_space<vmem>>, vector<16xf32>,
        %get3A_481 = arith.index_cast %add3A_470 : i32 to index
        %get3A_482 = arith.constant 16 : index
        %get3A_483 = tpu.vector_load %arg18[%get3A_481, %get3A_482] {strides = array<i32>} : memref<64x128xf32, #tpu.memory_space<vmem>>, vector<16xf32>,
        %mul3A_484 = arith.mulf %get3A_480, %get3A_483 : vector<16xf32>
        %add3A_485 = arith.addf %mul3A_477, %mul3A_484 : vector<16xf32>
        %get3A_486 = arith.index_cast %add3A_470 : i32 to index
        %get3A_487 = arith.constant 32 : index
        %get3A_488 = tpu.vector_load %arg17[%get3A_486, %get3A_487] {strides = array<i32>} : memref<64x128xf32, #tpu.memory_space<vmem>>, vector<16xf32>,
        %get3A_489 = arith.index_cast %add3A_470 : i32 to index
        %get3A_490 = arith.constant 32 : index
        %get3A_491 = tpu.vector_load %arg18[%get3A_489, %get3A_490] {strides = array<i32>} : memref<64x128xf32, #tpu.memory_space<vmem>>, vector<16xf32>,
        %mul3A_492 = arith.mulf %get3A_488, %get3A_491 : vector<16xf32>
        %add3A_493 = arith.addf %add3A_485, %mul3A_492 : vector<16xf32>
        %get3A_494 = arith.index_cast %add3A_470 : i32 to index
        %get3A_495 = arith.constant 48 : index
        %get3A_496 = tpu.vector_load %arg17[%get3A_494, %get3A_495] {strides = array<i32>} : memref<64x128xf32, #tpu.memory_space<vmem>>, vector<16xf32>,
        %get3A_497 = arith.index_cast %add3A_470 : i32 to index
        %get3A_498 = arith.constant 48 : index
        %get3A_499 = tpu.vector_load %arg18[%get3A_497, %get3A_498] {strides = array<i32>} : memref<64x128xf32, #tpu.memory_space<vmem>>, vector<16xf32>,
        %mul3A_500 = arith.mulf %get3A_496, %get3A_499 : vector<16xf32>
        %add3A_501 = arith.addf %add3A_493, %mul3A_500 : vector<16xf32>
        %get3A_502 = arith.index_cast %add3A_470 : i32 to index
        %get3A_503 = arith.constant 64 : index
        %get3A_504 = tpu.vector_load %arg17[%get3A_502, %get3A_503] {strides = array<i32>} : memref<64x128xf32, #tpu.memory_space<vmem>>, vector<16xf32>,
        %get3A_505 = arith.index_cast %add3A_470 : i32 to index
        %get3A_506 = arith.constant 64 : index
        %get3A_507 = tpu.vector_load %arg18[%get3A_505, %get3A_506] {strides = array<i32>} : memref<64x128xf32, #tpu.memory_space<vmem>>, vector<16xf32>,
        %mul3A_508 = arith.mulf %get3A_504, %get3A_507 : vector<16xf32>
        %add3A_509 = arith.addf %add3A_501, %mul3A_508 : vector<16xf32>
        %get3A_510 = arith.index_cast %add3A_470 : i32 to index
        %get3A_511 = arith.constant 80 : index
        %get3A_512 = tpu.vector_load %arg17[%get3A_510, %get3A_511] {strides = array<i32>} : memref<64x128xf32, #tpu.memory_space<vmem>>, vector<16xf32>,
        %get3A_513 = arith.index_cast %add3A_470 : i32 to index
        %get3A_514 = arith.constant 80 : index
        %get3A_515 = tpu.vector_load %arg18[%get3A_513, %get3A_514] {strides = array<i32>} : memref<64x128xf32, #tpu.memory_space<vmem>>, vector<16xf32>,
        %mul3A_516 = arith.mulf %get3A_512, %get3A_515 : vector<16xf32>
        %add3A_517 = arith.addf %add3A_509, %mul3A_516 : vector<16xf32>
        %get3A_518 = arith.index_cast %add3A_470 : i32 to index
        %get3A_519 = arith.constant 96 : index
        %get3A_520 = tpu.vector_load %arg17[%get3A_518, %get3A_519] {strides = array<i32>} : memref<64x128xf32, #tpu.memory_space<vmem>>, vector<16xf32>,
        %get3A_521 = arith.index_cast %add3A_470 : i32 to index
        %get3A_522 = arith.constant 96 : index
        %get3A_523 = tpu.vector_load %arg18[%get3A_521, %get3A_522] {strides = array<i32>} : memref<64x128xf32, #tpu.memory_space<vmem>>, vector<16xf32>,
        %mul3A_524 = arith.mulf %get3A_520, %get3A_523 : vector<16xf32>
        %add3A_525 = arith.addf %add3A_517, %mul3A_524 : vector<16xf32>
        %get3A_526 = arith.index_cast %add3A_470 : i32 to index
        %get3A_527 = arith.constant 112 : index
        %get3A_528 = tpu.vector_load %arg17[%get3A_526, %get3A_527] {strides = array<i32>} : memref<64x128xf32, #tpu.memory_space<vmem>>, vector<16xf32>,
        %get3A_529 = arith.index_cast %add3A_470 : i32 to index
        %get3A_530 = arith.constant 112 : index
        %get3A_531 = tpu.vector_load %arg18[%get3A_529, %get3A_530] {strides = array<i32>} : memref<64x128xf32, #tpu.memory_space<vmem>>, vector<16xf32>,
        %mul3A_532 = arith.mulf %get3A_528, %get3A_531 : vector<16xf32>
        %add3A_533 = arith.addf %add3A_525, %mul3A_532 : vector<16xf32>
        %add3A_534 = arith.constant 1 : i32
        %add3A_535 = arith.addi %mul3A_391, %add3A_534 : i32
        %eq3A_536 = vector.broadcast %add3A_535 : i32 to vector<16xi32>
        %eq3A_537 = arith.cmpi eq, %iota3A, %eq3A_536 : vector<16xi32>
        %reduce_sum3A_538 = arith.constant true
        %reduce_sum3A_539 = vector.broadcast %reduce_sum3A_538 : i1 to vector<16xi1>
        %reduce_sum3A_540 = tpu.scan <sum>, %add3A_533 masked %reduce_sum3A_539 : vector<16xf32>, vector<16xi1> -> vector<16xf32>
        %reduce_sum3A_541 = vector.extract %reduce_sum3A_540[15] : f32 from vector<16xf32>
        %broadcast_in_dim3A_542 = vector.broadcast %reduce_sum3A_541 : f32 to vector<16xf32>
        %select_n3A_543 = arith.select %eq3A_537, %broadcast_in_dim3A_542, %select_n3A_466 : vector<16xi1>, vector<16xf32>
        %mul3A_544 = arith.constant 64 : i32
        %mul3A_545 = arith.muli %mul3A_183, %mul3A_544 : i32
        %jit3A_546 = arith.constant 8 : i32
        %div3A = arith.divsi %scan3A_379, %jit3A_546 : i32
        %sign3A = arith.constant 0 : i32
        %sign3A_547 = arith.cmpi sgt, %scan3A_379, %sign3A : i32
        %sign3A_548 = arith.extui %sign3A_547 : i1 to i32
        %sign3A_549 = arith.constant 0 : i32
        %sign3A_550 = arith.cmpi slt, %scan3A_379, %sign3A_549 : i32
        %sign3A_551 = arith.extui %sign3A_550 : i1 to i32
        %sign3A_552 = arith.subi %sign3A_548, %sign3A_551 : i32
        %sign3A_553 = arith.constant 0 : i32
        %sign3A_554 = arith.cmpi sgt, %jit3A_546, %sign3A_553 : i32
        %sign3A_555 = arith.extui %sign3A_554 : i1 to i32
        %sign3A_556 = arith.constant 0 : i32
        %sign3A_557 = arith.cmpi slt, %jit3A_546, %sign3A_556 : i32
        %sign3A_558 = arith.extui %sign3A_557 : i1 to i32
        %sign3A_559 = arith.subi %sign3A_555, %sign3A_558 : i32
        %ne3A_560 = arith.cmpi ne, %sign3A_552, %sign3A_559 : i32
        %rem3A_561 = arith.remsi %scan3A_379, %jit3A_546 : i32
        %ne3A_562 = arith.constant 0 : i32
        %ne3A_563 = arith.cmpi ne, %rem3A_561, %ne3A_562 : i32
        %and3A_564 = arith.andi %ne3A_560, %ne3A_563 : i1
        %sub3A_565 = arith.constant 1 : i32
        %sub3A_566 = arith.subi %div3A, %sub3A_565 : i32
        %select_n3A_567 = arith.select %and3A_564, %sub3A_566, %div3A : i32
        %mul3A_568 = arith.constant 16 : i32
        %mul3A_569 = arith.muli %select_n3A_567, %mul3A_568 : i32
        %add3A_570 = arith.addi %mul3A_545, %mul3A_569 : i32
        %swap3A = arith.index_cast %add3A_570 : i32 to index
        %swap3A_571 = tpu.vector_load %arg23[%swap3A] {strides = array<i32>} : memref<512xf32, #tpu.memory_space<vmem>>, vector<16xf32>,
        tpu.vector_store %arg23[%swap3A], %select_n3A_543 {strides = array<i32>} : memref<512xf32, #tpu.memory_space<vmem>>, vector<16xf32>,
        %jit3A_572 = arith.constant 8 : i32
        %eq3A_573 = arith.constant 0 : i32
        %eq3A_574 = arith.cmpi eq, %jit3A_572, %eq3A_573 : i32
        %jit3A_575 = arith.constant 1 : i32
        %select_n3A_576 = arith.select %eq3A_574, %jit3A_575, %jit3A_572 : i32
        %rem3A_577 = arith.remsi %scan3A_379, %select_n3A_576 : i32
        %ne3A_578 = arith.constant 0 : i32
        %ne3A_579 = arith.cmpi ne, %rem3A_577, %ne3A_578 : i32
        %lt3A_580 = arith.constant 0 : i32
        %lt3A_581 = arith.cmpi slt, %rem3A_577, %lt3A_580 : i32
        %lt3A_582 = arith.constant 0 : i32
        %lt3A_583 = arith.cmpi slt, %select_n3A_576, %lt3A_582 : i32
        %ne3A_584 = arith.xori %lt3A_581, %lt3A_583 : i1
        %and3A_585 = arith.andi %ne3A_584, %ne3A_579 : i1
        %add3A_586 = arith.addi %rem3A_577, %select_n3A_576 : i32
        %select_n3A_587 = arith.select %and3A_585, %add3A_586, %rem3A_577 : i32
        %eq3A_588 = arith.constant 7 : i32
        %eq3A_589 = arith.cmpi eq, %select_n3A_587, %eq3A_588 : i32
        %jit3A_590 = arith.constant 0.000000e+00 : f32
        %jit3A_591 = arith.constant 1.000000e+00 : f32
        %select_n3A_592 = arith.select %eq3A_589, %jit3A_590, %jit3A_591 : f32
        %mul3A_593 = vector.broadcast %select_n3A_592 : f32 to vector<16xf32>
        %mul3A_594 = arith.mulf %select_n3A_543, %mul3A_593 : vector<16xf32>
        scf.yield %mul3A_594 : vector<16xf32>
      }
      %scan3A_354 = arith.constant 32 : i32
      %dma_wait3A_355 = arith.constant 0 : i32
      %dma_wait3A_356 = tpu.memref_slice %arg13[%dma_wait3A_355] : memref<512xi32, #tpu.memory_space<vmem>> -> memref<64xi32, #tpu.memory_space<vmem>>
      %dma_wait3A_357 = arith.constant 0 : i32
      %dma_wait3A_358 = arith.constant 0 : i32
      %dma_wait3A_359 = tpu.memref_slice %arg4[%dma_wait3A_357, %dma_wait3A_358] : memref<100000x128xf32, #tpu.memory_space<hbm>> -> memref<100000x128xf32, #tpu.memory_space<hbm>>
      tpu.wait_indirect_dma semaphore(%arg24 : memref<!tpu.dma_semaphore, #tpu.memory_space<semaphore_mem>>) src(%dma_wait3A_359 : memref<100000x128xf32, #tpu.memory_space<hbm>>) dst(%arg15 : memref<64x128xf32, #tpu.memory_space<vmem>>)
      %mul3A_360 = arith.constant 64 : i32
      %mul3A_361 = arith.muli %mul3A_183, %mul3A_360 : i32
      %add3A_362 = arith.addi %mul3A_2, %mul3A_361 : i32
      %dma_start3A_363 = arith.constant 0 : i32
      %dma_start3A_364 = tpu.memref_slice %arg8[%add3A_362, %dma_start3A_363] : memref<16384x128xf32, #tpu.memory_space<hbm>> -> memref<64x128xf32, #tpu.memory_space<hbm>>
      %dma_start3A_365 = arith.constant 0 : i32
      %dma_start3A_366 = tpu.memref_slice %arg8[%add3A_362, %dma_start3A_365] : memref<16384x128xf32, #tpu.memory_space<hbm>> -> memref<64x128xf32, #tpu.memory_space<hbm>>
      tpu.enqueue_dma source(%arg15 : memref<64x128xf32, #tpu.memory_space<vmem>>) target(%dma_start3A_366 : memref<64x128xf32, #tpu.memory_space<hbm>>) target_semaphore(%arg32 : memref<!tpu.dma_semaphore, #tpu.memory_space<semaphore_mem>>)
      %dma_wait3A_367 = arith.constant 0 : i32
      %dma_wait3A_368 = tpu.memref_slice %arg13[%dma_wait3A_367] : memref<512xi32, #tpu.memory_space<vmem>> -> memref<64xi32, #tpu.memory_space<vmem>>
      %dma_wait3A_369 = arith.constant 0 : i32
      %dma_wait3A_370 = arith.constant 0 : i32
      %dma_wait3A_371 = tpu.memref_slice %arg4[%dma_wait3A_369, %dma_wait3A_370] : memref<100000x128xf32, #tpu.memory_space<hbm>> -> memref<100000x128xf32, #tpu.memory_space<hbm>>
      tpu.wait_indirect_dma semaphore(%arg25 : memref<!tpu.dma_semaphore, #tpu.memory_space<semaphore_mem>>) src(%dma_wait3A_371 : memref<100000x128xf32, #tpu.memory_space<hbm>>) dst(%arg16 : memref<64x128xf32, #tpu.memory_space<vmem>>)
      %mul3A_372 = arith.constant 64 : i32
      %mul3A_373 = arith.muli %mul3A_183, %mul3A_372 : i32
      %add3A_374 = arith.addi %mul3A_2, %mul3A_373 : i32
      %dma_start3A_375 = arith.constant 0 : i32
      %dma_start3A_376 = tpu.memref_slice %arg9[%add3A_374, %dma_start3A_375] : memref<16384x128xf32, #tpu.memory_space<hbm>> -> memref<64x128xf32, #tpu.memory_space<hbm>>
      %dma_start3A_377 = arith.constant 0 : i32
      %dma_start3A_378 = tpu.memref_slice %arg9[%add3A_374, %dma_start3A_377] : memref<16384x128xf32, #tpu.memory_space<hbm>> -> memref<64x128xf32, #tpu.memory_space<hbm>>
      tpu.enqueue_dma source(%arg16 : memref<64x128xf32, #tpu.memory_space<vmem>>) target(%dma_start3A_378 : memref<64x128xf32, #tpu.memory_space<hbm>>) target_semaphore(%arg33 : memref<!tpu.dma_semaphore, #tpu.memory_space<semaphore_mem>>)
    }
    %scan3A_96 = arith.constant 3 : i32
    %dma_wait3A_97 = arith.constant 0 : i32
    %dma_wait3A_98 = tpu.memref_slice %arg13[%dma_wait3A_97] : memref<512xi32, #tpu.memory_space<vmem>> -> memref<64xi32, #tpu.memory_space<vmem>>
    %dma_wait3A_99 = arith.constant 0 : i32
    %dma_wait3A_100 = arith.constant 0 : i32
    %dma_wait3A_101 = tpu.memref_slice %arg4[%dma_wait3A_99, %dma_wait3A_100] : memref<100000x128xf32, #tpu.memory_space<hbm>> -> memref<100000x128xf32, #tpu.memory_space<hbm>>
    tpu.wait_indirect_dma semaphore(%arg30 : memref<!tpu.dma_semaphore, #tpu.memory_space<semaphore_mem>>) src(%dma_wait3A_101 : memref<100000x128xf32, #tpu.memory_space<hbm>>) dst(%arg21 : memref<64x128xf32, #tpu.memory_space<vmem>>)
    %add3A_102 = arith.constant 448 : i32
    %add3A_103 = arith.addi %mul3A_2, %add3A_102 : i32
    %dma_start3A_104 = arith.constant 0 : i32
    %dma_start3A_105 = tpu.memref_slice %arg10[%add3A_103, %dma_start3A_104] : memref<16384x128xf32, #tpu.memory_space<hbm>> -> memref<64x128xf32, #tpu.memory_space<hbm>>
    %dma_start3A_106 = arith.constant 0 : i32
    %dma_start3A_107 = tpu.memref_slice %arg10[%add3A_103, %dma_start3A_106] : memref<16384x128xf32, #tpu.memory_space<hbm>> -> memref<64x128xf32, #tpu.memory_space<hbm>>
    tpu.enqueue_dma source(%arg21 : memref<64x128xf32, #tpu.memory_space<vmem>>) target(%dma_start3A_107 : memref<64x128xf32, #tpu.memory_space<hbm>>) target_semaphore(%arg38 : memref<!tpu.dma_semaphore, #tpu.memory_space<semaphore_mem>>)
    %dma_wait3A_108 = arith.constant 0 : i32
    %dma_wait3A_109 = tpu.memref_slice %arg13[%dma_wait3A_108] : memref<512xi32, #tpu.memory_space<vmem>> -> memref<64xi32, #tpu.memory_space<vmem>>
    %dma_wait3A_110 = arith.constant 0 : i32
    %dma_wait3A_111 = arith.constant 0 : i32
    %dma_wait3A_112 = tpu.memref_slice %arg4[%dma_wait3A_110, %dma_wait3A_111] : memref<100000x128xf32, #tpu.memory_space<hbm>> -> memref<100000x128xf32, #tpu.memory_space<hbm>>
    tpu.wait_indirect_dma semaphore(%arg31 : memref<!tpu.dma_semaphore, #tpu.memory_space<semaphore_mem>>) src(%dma_wait3A_112 : memref<100000x128xf32, #tpu.memory_space<hbm>>) dst(%arg22 : memref<64x128xf32, #tpu.memory_space<vmem>>)
    %add3A_113 = arith.constant 448 : i32
    %add3A_114 = arith.addi %mul3A_2, %add3A_113 : i32
    %dma_start3A_115 = arith.constant 0 : i32
    %dma_start3A_116 = tpu.memref_slice %arg11[%add3A_114, %dma_start3A_115] : memref<16384x128xf32, #tpu.memory_space<hbm>> -> memref<64x128xf32, #tpu.memory_space<hbm>>
    %dma_start3A_117 = arith.constant 0 : i32
    %dma_start3A_118 = tpu.memref_slice %arg11[%add3A_114, %dma_start3A_117] : memref<16384x128xf32, #tpu.memory_space<hbm>> -> memref<64x128xf32, #tpu.memory_space<hbm>>
    tpu.enqueue_dma source(%arg22 : memref<64x128xf32, #tpu.memory_space<vmem>>) target(%dma_start3A_118 : memref<64x128xf32, #tpu.memory_space<hbm>>) target_semaphore(%arg39 : memref<!tpu.dma_semaphore, #tpu.memory_space<semaphore_mem>>)
    %broadcast_in_dim3A_119 = arith.constant 0.000000e+00 : f32
    %broadcast_in_dim3A_120 = vector.broadcast %broadcast_in_dim3A_119 : f32 to vector<16xf32>
    %scan3A_121 = arith.constant 0 : i32
    %scan3A_122 = arith.constant 32 : i32
    %scan3A_123 = arith.addi %scan3A_121, %scan3A_122 : i32
    %scan3A_124 = arith.constant 1 : i32
    %scan3A_125 = scf.for %scan3A_181 = %scan3A_121 to %scan3A_123 step %scan3A_124 iter_args(%scan3A_182 = %broadcast_in_dim3A_120) -> (vector<16xf32>)  : i32 {
      %iota3A = tpu.iota {dimensions = array<i32: 0>} : vector<16xi32>
      %jit3A = arith.constant 8 : i32
      %eq3A = arith.constant 0 : i32
      %eq3A_183 = arith.cmpi eq, %jit3A, %eq3A : i32
      %jit3A_184 = arith.constant 1 : i32
      %select_n3A = arith.select %eq3A_183, %jit3A_184, %jit3A : i32
      %rem3A = arith.remsi %scan3A_181, %select_n3A : i32
      %ne3A = arith.constant 0 : i32
      %ne3A_185 = arith.cmpi ne, %rem3A, %ne3A : i32
      %lt3A = arith.constant 0 : i32
      %lt3A_186 = arith.cmpi slt, %rem3A, %lt3A : i32
      %lt3A_187 = arith.constant 0 : i32
      %lt3A_188 = arith.cmpi slt, %select_n3A, %lt3A_187 : i32
      %ne3A_189 = arith.xori %lt3A_186, %lt3A_188 : i1
      %and3A = arith.andi %ne3A_189, %ne3A_185 : i1
      %add3A_190 = arith.addi %rem3A, %select_n3A : i32
      %select_n3A_191 = arith.select %and3A, %add3A_190, %rem3A : i32
      %mul3A_192 = arith.constant 2 : i32
      %mul3A_193 = arith.muli %select_n3A_191, %mul3A_192 : i32
      %mul3A_194 = arith.constant 2 : i32
      %mul3A_195 = arith.muli %scan3A_181, %mul3A_194 : i32
      %add3A_196 = arith.constant 0 : i32
      %add3A_197 = arith.addi %mul3A_195, %add3A_196 : i32
      %get3A = arith.index_cast %add3A_197 : i32 to index
      %get3A_198 = arith.constant 0 : index
      %get3A_199 = tpu.vector_load %arg21[%get3A, %get3A_198] {strides = array<i32>} : memref<64x128xf32, #tpu.memory_space<vmem>>, vector<16xf32>,
      %get3A_200 = arith.index_cast %add3A_197 : i32 to index
      %get3A_201 = arith.constant 0 : index
      %get3A_202 = tpu.vector_load %arg22[%get3A_200, %get3A_201] {strides = array<i32>} : memref<64x128xf32, #tpu.memory_space<vmem>>, vector<16xf32>,
      %mul3A_203 = arith.mulf %get3A_199, %get3A_202 : vector<16xf32>
      %get3A_204 = arith.index_cast %add3A_197 : i32 to index
      %get3A_205 = arith.constant 16 : index
      %get3A_206 = tpu.vector_load %arg21[%get3A_204, %get3A_205] {strides = array<i32>} : memref<64x128xf32, #tpu.memory_space<vmem>>, vector<16xf32>,
      %get3A_207 = arith.index_cast %add3A_197 : i32 to index
      %get3A_208 = arith.constant 16 : index
      %get3A_209 = tpu.vector_load %arg22[%get3A_207, %get3A_208] {strides = array<i32>} : memref<64x128xf32, #tpu.memory_space<vmem>>, vector<16xf32>,
      %mul3A_210 = arith.mulf %get3A_206, %get3A_209 : vector<16xf32>
      %add3A_211 = arith.addf %mul3A_203, %mul3A_210 : vector<16xf32>
      %get3A_212 = arith.index_cast %add3A_197 : i32 to index
      %get3A_213 = arith.constant 32 : index
      %get3A_214 = tpu.vector_load %arg21[%get3A_212, %get3A_213] {strides = array<i32>} : memref<64x128xf32, #tpu.memory_space<vmem>>, vector<16xf32>,
      %get3A_215 = arith.index_cast %add3A_197 : i32 to index
      %get3A_216 = arith.constant 32 : index
      %get3A_217 = tpu.vector_load %arg22[%get3A_215, %get3A_216] {strides = array<i32>} : memref<64x128xf32, #tpu.memory_space<vmem>>, vector<16xf32>,
      %mul3A_218 = arith.mulf %get3A_214, %get3A_217 : vector<16xf32>
      %add3A_219 = arith.addf %add3A_211, %mul3A_218 : vector<16xf32>
      %get3A_220 = arith.index_cast %add3A_197 : i32 to index
      %get3A_221 = arith.constant 48 : index
      %get3A_222 = tpu.vector_load %arg21[%get3A_220, %get3A_221] {strides = array<i32>} : memref<64x128xf32, #tpu.memory_space<vmem>>, vector<16xf32>,
      %get3A_223 = arith.index_cast %add3A_197 : i32 to index
      %get3A_224 = arith.constant 48 : index
      %get3A_225 = tpu.vector_load %arg22[%get3A_223, %get3A_224] {strides = array<i32>} : memref<64x128xf32, #tpu.memory_space<vmem>>, vector<16xf32>,
      %mul3A_226 = arith.mulf %get3A_222, %get3A_225 : vector<16xf32>
      %add3A_227 = arith.addf %add3A_219, %mul3A_226 : vector<16xf32>
      %get3A_228 = arith.index_cast %add3A_197 : i32 to index
      %get3A_229 = arith.constant 64 : index
      %get3A_230 = tpu.vector_load %arg21[%get3A_228, %get3A_229] {strides = array<i32>} : memref<64x128xf32, #tpu.memory_space<vmem>>, vector<16xf32>,
      %get3A_231 = arith.index_cast %add3A_197 : i32 to index
      %get3A_232 = arith.constant 64 : index
      %get3A_233 = tpu.vector_load %arg22[%get3A_231, %get3A_232] {strides = array<i32>} : memref<64x128xf32, #tpu.memory_space<vmem>>, vector<16xf32>,
      %mul3A_234 = arith.mulf %get3A_230, %get3A_233 : vector<16xf32>
      %add3A_235 = arith.addf %add3A_227, %mul3A_234 : vector<16xf32>
      %get3A_236 = arith.index_cast %add3A_197 : i32 to index
      %get3A_237 = arith.constant 80 : index
      %get3A_238 = tpu.vector_load %arg21[%get3A_236, %get3A_237] {strides = array<i32>} : memref<64x128xf32, #tpu.memory_space<vmem>>, vector<16xf32>,
      %get3A_239 = arith.index_cast %add3A_197 : i32 to index
      %get3A_240 = arith.constant 80 : index
      %get3A_241 = tpu.vector_load %arg22[%get3A_239, %get3A_240] {strides = array<i32>} : memref<64x128xf32, #tpu.memory_space<vmem>>, vector<16xf32>,
      %mul3A_242 = arith.mulf %get3A_238, %get3A_241 : vector<16xf32>
      %add3A_243 = arith.addf %add3A_235, %mul3A_242 : vector<16xf32>
      %get3A_244 = arith.index_cast %add3A_197 : i32 to index
      %get3A_245 = arith.constant 96 : index
      %get3A_246 = tpu.vector_load %arg21[%get3A_244, %get3A_245] {strides = array<i32>} : memref<64x128xf32, #tpu.memory_space<vmem>>, vector<16xf32>,
      %get3A_247 = arith.index_cast %add3A_197 : i32 to index
      %get3A_248 = arith.constant 96 : index
      %get3A_249 = tpu.vector_load %arg22[%get3A_247, %get3A_248] {strides = array<i32>} : memref<64x128xf32, #tpu.memory_space<vmem>>, vector<16xf32>,
      %mul3A_250 = arith.mulf %get3A_246, %get3A_249 : vector<16xf32>
      %add3A_251 = arith.addf %add3A_243, %mul3A_250 : vector<16xf32>
      %get3A_252 = arith.index_cast %add3A_197 : i32 to index
      %get3A_253 = arith.constant 112 : index
      %get3A_254 = tpu.vector_load %arg21[%get3A_252, %get3A_253] {strides = array<i32>} : memref<64x128xf32, #tpu.memory_space<vmem>>, vector<16xf32>,
      %get3A_255 = arith.index_cast %add3A_197 : i32 to index
      %get3A_256 = arith.constant 112 : index
      %get3A_257 = tpu.vector_load %arg22[%get3A_255, %get3A_256] {strides = array<i32>} : memref<64x128xf32, #tpu.memory_space<vmem>>, vector<16xf32>,
      %mul3A_258 = arith.mulf %get3A_254, %get3A_257 : vector<16xf32>
      %add3A_259 = arith.addf %add3A_251, %mul3A_258 : vector<16xf32>
      %add3A_260 = arith.constant 0 : i32
      %add3A_261 = arith.addi %mul3A_193, %add3A_260 : i32
      %eq3A_262 = vector.broadcast %add3A_261 : i32 to vector<16xi32>
      %eq3A_263 = arith.cmpi eq, %iota3A, %eq3A_262 : vector<16xi32>
      %reduce_sum3A = arith.constant true
      %reduce_sum3A_264 = vector.broadcast %reduce_sum3A : i1 to vector<16xi1>
      %reduce_sum3A_265 = tpu.scan <sum>, %add3A_259 masked %reduce_sum3A_264 : vector<16xf32>, vector<16xi1> -> vector<16xf32>
      %reduce_sum3A_266 = vector.extract %reduce_sum3A_265[15] : f32 from vector<16xf32>
      %broadcast_in_dim3A_267 = vector.broadcast %reduce_sum3A_266 : f32 to vector<16xf32>
      %select_n3A_268 = arith.select %eq3A_263, %broadcast_in_dim3A_267, %scan3A_182 : vector<16xi1>, vector<16xf32>
      %mul3A_269 = arith.constant 2 : i32
      %mul3A_270 = arith.muli %scan3A_181, %mul3A_269 : i32
      %add3A_271 = arith.constant 1 : i32
      %add3A_272 = arith.addi %mul3A_270, %add3A_271 : i32
      %get3A_273 = arith.index_cast %add3A_272 : i32 to index
      %get3A_274 = arith.constant 0 : index
      %get3A_275 = tpu.vector_load %arg21[%get3A_273, %get3A_274] {strides = array<i32>} : memref<64x128xf32, #tpu.memory_space<vmem>>, vector<16xf32>,
      %get3A_276 = arith.index_cast %add3A_272 : i32 to index
      %get3A_277 = arith.constant 0 : index
      %get3A_278 = tpu.vector_load %arg22[%get3A_276, %get3A_277] {strides = array<i32>} : memref<64x128xf32, #tpu.memory_space<vmem>>, vector<16xf32>,
      %mul3A_279 = arith.mulf %get3A_275, %get3A_278 : vector<16xf32>
      %get3A_280 = arith.index_cast %add3A_272 : i32 to index
      %get3A_281 = arith.constant 16 : index
      %get3A_282 = tpu.vector_load %arg21[%get3A_280, %get3A_281] {strides = array<i32>} : memref<64x128xf32, #tpu.memory_space<vmem>>, vector<16xf32>,
      %get3A_283 = arith.index_cast %add3A_272 : i32 to index
      %get3A_284 = arith.constant 16 : index
      %get3A_285 = tpu.vector_load %arg22[%get3A_283, %get3A_284] {strides = array<i32>} : memref<64x128xf32, #tpu.memory_space<vmem>>, vector<16xf32>,
      %mul3A_286 = arith.mulf %get3A_282, %get3A_285 : vector<16xf32>
      %add3A_287 = arith.addf %mul3A_279, %mul3A_286 : vector<16xf32>
      %get3A_288 = arith.index_cast %add3A_272 : i32 to index
      %get3A_289 = arith.constant 32 : index
      %get3A_290 = tpu.vector_load %arg21[%get3A_288, %get3A_289] {strides = array<i32>} : memref<64x128xf32, #tpu.memory_space<vmem>>, vector<16xf32>,
      %get3A_291 = arith.index_cast %add3A_272 : i32 to index
      %get3A_292 = arith.constant 32 : index
      %get3A_293 = tpu.vector_load %arg22[%get3A_291, %get3A_292] {strides = array<i32>} : memref<64x128xf32, #tpu.memory_space<vmem>>, vector<16xf32>,
      %mul3A_294 = arith.mulf %get3A_290, %get3A_293 : vector<16xf32>
      %add3A_295 = arith.addf %add3A_287, %mul3A_294 : vector<16xf32>
      %get3A_296 = arith.index_cast %add3A_272 : i32 to index
      %get3A_297 = arith.constant 48 : index
      %get3A_298 = tpu.vector_load %arg21[%get3A_296, %get3A_297] {strides = array<i32>} : memref<64x128xf32, #tpu.memory_space<vmem>>, vector<16xf32>,
      %get3A_299 = arith.index_cast %add3A_272 : i32 to index
      %get3A_300 = arith.constant 48 : index
      %get3A_301 = tpu.vector_load %arg22[%get3A_299, %get3A_300] {strides = array<i32>} : memref<64x128xf32, #tpu.memory_space<vmem>>, vector<16xf32>,
      %mul3A_302 = arith.mulf %get3A_298, %get3A_301 : vector<16xf32>
      %add3A_303 = arith.addf %add3A_295, %mul3A_302 : vector<16xf32>
      %get3A_304 = arith.index_cast %add3A_272 : i32 to index
      %get3A_305 = arith.constant 64 : index
      %get3A_306 = tpu.vector_load %arg21[%get3A_304, %get3A_305] {strides = array<i32>} : memref<64x128xf32, #tpu.memory_space<vmem>>, vector<16xf32>,
      %get3A_307 = arith.index_cast %add3A_272 : i32 to index
      %get3A_308 = arith.constant 64 : index
      %get3A_309 = tpu.vector_load %arg22[%get3A_307, %get3A_308] {strides = array<i32>} : memref<64x128xf32, #tpu.memory_space<vmem>>, vector<16xf32>,
      %mul3A_310 = arith.mulf %get3A_306, %get3A_309 : vector<16xf32>
      %add3A_311 = arith.addf %add3A_303, %mul3A_310 : vector<16xf32>
      %get3A_312 = arith.index_cast %add3A_272 : i32 to index
      %get3A_313 = arith.constant 80 : index
      %get3A_314 = tpu.vector_load %arg21[%get3A_312, %get3A_313] {strides = array<i32>} : memref<64x128xf32, #tpu.memory_space<vmem>>, vector<16xf32>,
      %get3A_315 = arith.index_cast %add3A_272 : i32 to index
      %get3A_316 = arith.constant 80 : index
      %get3A_317 = tpu.vector_load %arg22[%get3A_315, %get3A_316] {strides = array<i32>} : memref<64x128xf32, #tpu.memory_space<vmem>>, vector<16xf32>,
      %mul3A_318 = arith.mulf %get3A_314, %get3A_317 : vector<16xf32>
      %add3A_319 = arith.addf %add3A_311, %mul3A_318 : vector<16xf32>
      %get3A_320 = arith.index_cast %add3A_272 : i32 to index
      %get3A_321 = arith.constant 96 : index
      %get3A_322 = tpu.vector_load %arg21[%get3A_320, %get3A_321] {strides = array<i32>} : memref<64x128xf32, #tpu.memory_space<vmem>>, vector<16xf32>,
      %get3A_323 = arith.index_cast %add3A_272 : i32 to index
      %get3A_324 = arith.constant 96 : index
      %get3A_325 = tpu.vector_load %arg22[%get3A_323, %get3A_324] {strides = array<i32>} : memref<64x128xf32, #tpu.memory_space<vmem>>, vector<16xf32>,
      %mul3A_326 = arith.mulf %get3A_322, %get3A_325 : vector<16xf32>
      %add3A_327 = arith.addf %add3A_319, %mul3A_326 : vector<16xf32>
      %get3A_328 = arith.index_cast %add3A_272 : i32 to index
      %get3A_329 = arith.constant 112 : index
      %get3A_330 = tpu.vector_load %arg21[%get3A_328, %get3A_329] {strides = array<i32>} : memref<64x128xf32, #tpu.memory_space<vmem>>, vector<16xf32>,
      %get3A_331 = arith.index_cast %add3A_272 : i32 to index
      %get3A_332 = arith.constant 112 : index
      %get3A_333 = tpu.vector_load %arg22[%get3A_331, %get3A_332] {strides = array<i32>} : memref<64x128xf32, #tpu.memory_space<vmem>>, vector<16xf32>,
      %mul3A_334 = arith.mulf %get3A_330, %get3A_333 : vector<16xf32>
      %add3A_335 = arith.addf %add3A_327, %mul3A_334 : vector<16xf32>
      %add3A_336 = arith.constant 1 : i32
      %add3A_337 = arith.addi %mul3A_193, %add3A_336 : i32
      %eq3A_338 = vector.broadcast %add3A_337 : i32 to vector<16xi32>
      %eq3A_339 = arith.cmpi eq, %iota3A, %eq3A_338 : vector<16xi32>
      %reduce_sum3A_340 = arith.constant true
      %reduce_sum3A_341 = vector.broadcast %reduce_sum3A_340 : i1 to vector<16xi1>
      %reduce_sum3A_342 = tpu.scan <sum>, %add3A_335 masked %reduce_sum3A_341 : vector<16xf32>, vector<16xi1> -> vector<16xf32>
      %reduce_sum3A_343 = vector.extract %reduce_sum3A_342[15] : f32 from vector<16xf32>
      %broadcast_in_dim3A_344 = vector.broadcast %reduce_sum3A_343 : f32 to vector<16xf32>
      %select_n3A_345 = arith.select %eq3A_339, %broadcast_in_dim3A_344, %select_n3A_268 : vector<16xi1>, vector<16xf32>
      %jit3A_346 = arith.constant 8 : i32
      %div3A = arith.divsi %scan3A_181, %jit3A_346 : i32
      %sign3A = arith.constant 0 : i32
      %sign3A_347 = arith.cmpi sgt, %scan3A_181, %sign3A : i32
      %sign3A_348 = arith.extui %sign3A_347 : i1 to i32
      %sign3A_349 = arith.constant 0 : i32
      %sign3A_350 = arith.cmpi slt, %scan3A_181, %sign3A_349 : i32
      %sign3A_351 = arith.extui %sign3A_350 : i1 to i32
      %sign3A_352 = arith.subi %sign3A_348, %sign3A_351 : i32
      %sign3A_353 = arith.constant 0 : i32
      %sign3A_354 = arith.cmpi sgt, %jit3A_346, %sign3A_353 : i32
      %sign3A_355 = arith.extui %sign3A_354 : i1 to i32
      %sign3A_356 = arith.constant 0 : i32
      %sign3A_357 = arith.cmpi slt, %jit3A_346, %sign3A_356 : i32
      %sign3A_358 = arith.extui %sign3A_357 : i1 to i32
      %sign3A_359 = arith.subi %sign3A_355, %sign3A_358 : i32
      %ne3A_360 = arith.cmpi ne, %sign3A_352, %sign3A_359 : i32
      %rem3A_361 = arith.remsi %scan3A_181, %jit3A_346 : i32
      %ne3A_362 = arith.constant 0 : i32
      %ne3A_363 = arith.cmpi ne, %rem3A_361, %ne3A_362 : i32
      %and3A_364 = arith.andi %ne3A_360, %ne3A_363 : i1
      %sub3A = arith.constant 1 : i32
      %sub3A_365 = arith.subi %div3A, %sub3A : i32
      %select_n3A_366 = arith.select %and3A_364, %sub3A_365, %div3A : i32
      %mul3A_367 = arith.constant 16 : i32
      %mul3A_368 = arith.muli %select_n3A_366, %mul3A_367 : i32
      %add3A_369 = arith.constant 448 : i32
      %add3A_370 = arith.addi %add3A_369, %mul3A_368 : i32
      %swap3A = arith.index_cast %add3A_370 : i32 to index
      %swap3A_371 = tpu.vector_load %arg23[%swap3A] {strides = array<i32>} : memref<512xf32, #tpu.memory_space<vmem>>, vector<16xf32>,
      tpu.vector_store %arg23[%swap3A], %select_n3A_345 {strides = array<i32>} : memref<512xf32, #tpu.memory_space<vmem>>, vector<16xf32>,
      %jit3A_372 = arith.constant 8 : i32
      %eq3A_373 = arith.constant 0 : i32
      %eq3A_374 = arith.cmpi eq, %jit3A_372, %eq3A_373 : i32
      %jit3A_375 = arith.constant 1 : i32
      %select_n3A_376 = arith.select %eq3A_374, %jit3A_375, %jit3A_372 : i32
      %rem3A_377 = arith.remsi %scan3A_181, %select_n3A_376 : i32
      %ne3A_378 = arith.constant 0 : i32
      %ne3A_379 = arith.cmpi ne, %rem3A_377, %ne3A_378 : i32
      %lt3A_380 = arith.constant 0 : i32
      %lt3A_381 = arith.cmpi slt, %rem3A_377, %lt3A_380 : i32
      %lt3A_382 = arith.constant 0 : i32
      %lt3A_383 = arith.cmpi slt, %select_n3A_376, %lt3A_382 : i32
      %ne3A_384 = arith.xori %lt3A_381, %lt3A_383 : i1
      %and3A_385 = arith.andi %ne3A_384, %ne3A_379 : i1
      %add3A_386 = arith.addi %rem3A_377, %select_n3A_376 : i32
      %select_n3A_387 = arith.select %and3A_385, %add3A_386, %rem3A_377 : i32
      %eq3A_388 = arith.constant 7 : i32
      %eq3A_389 = arith.cmpi eq, %select_n3A_387, %eq3A_388 : i32
      %jit3A_390 = arith.constant 0.000000e+00 : f32
      %jit3A_391 = arith.constant 1.000000e+00 : f32
      %select_n3A_392 = arith.select %eq3A_389, %jit3A_390, %jit3A_391 : f32
      %mul3A_393 = vector.broadcast %select_n3A_392 : f32 to vector<16xf32>
      %mul3A_394 = arith.mulf %select_n3A_345, %mul3A_393 : vector<16xf32>
      scf.yield %mul3A_394 : vector<16xf32>
    }
    %scan3A_126 = arith.constant 32 : i32
    %dma_wait3A_127 = arith.constant 0 : i32
    %dma_wait3A_128 = tpu.memref_slice %arg13[%dma_wait3A_127] : memref<512xi32, #tpu.memory_space<vmem>> -> memref<64xi32, #tpu.memory_space<vmem>>
    %dma_wait3A_129 = arith.constant 0 : i32
    %dma_wait3A_130 = arith.constant 0 : i32
    %dma_wait3A_131 = tpu.memref_slice %arg4[%dma_wait3A_129, %dma_wait3A_130] : memref<100000x128xf32, #tpu.memory_space<hbm>> -> memref<100000x128xf32, #tpu.memory_space<hbm>>
    tpu.wait_indirect_dma semaphore(%arg28 : memref<!tpu.dma_semaphore, #tpu.memory_space<semaphore_mem>>) src(%dma_wait3A_131 : memref<100000x128xf32, #tpu.memory_space<hbm>>) dst(%arg19 : memref<64x128xf32, #tpu.memory_space<vmem>>)
    %add3A_132 = arith.constant 448 : i32
    %add3A_133 = arith.addi %mul3A_2, %add3A_132 : i32
    %dma_start3A_134 = arith.constant 0 : i32
    %dma_start3A_135 = tpu.memref_slice %arg8[%add3A_133, %dma_start3A_134] : memref<16384x128xf32, #tpu.memory_space<hbm>> -> memref<64x128xf32, #tpu.memory_space<hbm>>
    %dma_start3A_136 = arith.constant 0 : i32
    %dma_start3A_137 = tpu.memref_slice %arg8[%add3A_133, %dma_start3A_136] : memref<16384x128xf32, #tpu.memory_space<hbm>> -> memref<64x128xf32, #tpu.memory_space<hbm>>
    tpu.enqueue_dma source(%arg19 : memref<64x128xf32, #tpu.memory_space<vmem>>) target(%dma_start3A_137 : memref<64x128xf32, #tpu.memory_space<hbm>>) target_semaphore(%arg36 : memref<!tpu.dma_semaphore, #tpu.memory_space<semaphore_mem>>)
    %dma_wait3A_138 = arith.constant 0 : i32
    %dma_wait3A_139 = tpu.memref_slice %arg13[%dma_wait3A_138] : memref<512xi32, #tpu.memory_space<vmem>> -> memref<64xi32, #tpu.memory_space<vmem>>
    %dma_wait3A_140 = arith.constant 0 : i32
    %dma_wait3A_141 = arith.constant 0 : i32
    %dma_wait3A_142 = tpu.memref_slice %arg4[%dma_wait3A_140, %dma_wait3A_141] : memref<100000x128xf32, #tpu.memory_space<hbm>> -> memref<100000x128xf32, #tpu.memory_space<hbm>>
    tpu.wait_indirect_dma semaphore(%arg29 : memref<!tpu.dma_semaphore, #tpu.memory_space<semaphore_mem>>) src(%dma_wait3A_142 : memref<100000x128xf32, #tpu.memory_space<hbm>>) dst(%arg20 : memref<64x128xf32, #tpu.memory_space<vmem>>)
    %add3A_143 = arith.constant 448 : i32
    %add3A_144 = arith.addi %mul3A_2, %add3A_143 : i32
    %dma_start3A_145 = arith.constant 0 : i32
    %dma_start3A_146 = tpu.memref_slice %arg9[%add3A_144, %dma_start3A_145] : memref<16384x128xf32, #tpu.memory_space<hbm>> -> memref<64x128xf32, #tpu.memory_space<hbm>>
    %dma_start3A_147 = arith.constant 0 : i32
    %dma_start3A_148 = tpu.memref_slice %arg9[%add3A_144, %dma_start3A_147] : memref<16384x128xf32, #tpu.memory_space<hbm>> -> memref<64x128xf32, #tpu.memory_space<hbm>>
    tpu.enqueue_dma source(%arg20 : memref<64x128xf32, #tpu.memory_space<vmem>>) target(%dma_start3A_148 : memref<64x128xf32, #tpu.memory_space<hbm>>) target_semaphore(%arg37 : memref<!tpu.dma_semaphore, #tpu.memory_space<semaphore_mem>>)
    %dma_wait3A_149 = arith.constant 0 : i32
    %dma_wait3A_150 = tpu.memref_slice %arg8[%mul3A_2, %dma_wait3A_149] : memref<16384x128xf32, #tpu.memory_space<hbm>> -> memref<64x128xf32, #tpu.memory_space<hbm>>
    %dma_wait3A_151 = arith.constant 0 : i32
    %dma_wait3A_152 = tpu.memref_slice %arg8[%mul3A_2, %dma_wait3A_151] : memref<16384x128xf32, #tpu.memory_space<hbm>> -> memref<64x128xf32, #tpu.memory_space<hbm>>
    tpu.wait_dma2 semaphore(%arg32 : memref<!tpu.dma_semaphore, #tpu.memory_space<semaphore_mem>>) src(%arg15 : memref<64x128xf32, #tpu.memory_space<vmem>>) dst(%dma_wait3A_152 : memref<64x128xf32, #tpu.memory_space<hbm>>)
    %dma_wait3A_153 = arith.constant 0 : i32
    %dma_wait3A_154 = tpu.memref_slice %arg9[%mul3A_2, %dma_wait3A_153] : memref<16384x128xf32, #tpu.memory_space<hbm>> -> memref<64x128xf32, #tpu.memory_space<hbm>>
    %dma_wait3A_155 = arith.constant 0 : i32
    %dma_wait3A_156 = tpu.memref_slice %arg9[%mul3A_2, %dma_wait3A_155] : memref<16384x128xf32, #tpu.memory_space<hbm>> -> memref<64x128xf32, #tpu.memory_space<hbm>>
    tpu.wait_dma2 semaphore(%arg33 : memref<!tpu.dma_semaphore, #tpu.memory_space<semaphore_mem>>) src(%arg16 : memref<64x128xf32, #tpu.memory_space<vmem>>) dst(%dma_wait3A_156 : memref<64x128xf32, #tpu.memory_space<hbm>>)
    %dma_wait3A_157 = arith.constant 0 : i32
    %dma_wait3A_158 = tpu.memref_slice %arg10[%mul3A_2, %dma_wait3A_157] : memref<16384x128xf32, #tpu.memory_space<hbm>> -> memref<64x128xf32, #tpu.memory_space<hbm>>
    %dma_wait3A_159 = arith.constant 0 : i32
    %dma_wait3A_160 = tpu.memref_slice %arg10[%mul3A_2, %dma_wait3A_159] : memref<16384x128xf32, #tpu.memory_space<hbm>> -> memref<64x128xf32, #tpu.memory_space<hbm>>
    tpu.wait_dma2 semaphore(%arg34 : memref<!tpu.dma_semaphore, #tpu.memory_space<semaphore_mem>>) src(%arg17 : memref<64x128xf32, #tpu.memory_space<vmem>>) dst(%dma_wait3A_160 : memref<64x128xf32, #tpu.memory_space<hbm>>)
    %dma_wait3A_161 = arith.constant 0 : i32
    %dma_wait3A_162 = tpu.memref_slice %arg11[%mul3A_2, %dma_wait3A_161] : memref<16384x128xf32, #tpu.memory_space<hbm>> -> memref<64x128xf32, #tpu.memory_space<hbm>>
    %dma_wait3A_163 = arith.constant 0 : i32
    %dma_wait3A_164 = tpu.memref_slice %arg11[%mul3A_2, %dma_wait3A_163] : memref<16384x128xf32, #tpu.memory_space<hbm>> -> memref<64x128xf32, #tpu.memory_space<hbm>>
    tpu.wait_dma2 semaphore(%arg35 : memref<!tpu.dma_semaphore, #tpu.memory_space<semaphore_mem>>) src(%arg18 : memref<64x128xf32, #tpu.memory_space<vmem>>) dst(%dma_wait3A_164 : memref<64x128xf32, #tpu.memory_space<hbm>>)
    %dma_wait3A_165 = arith.constant 0 : i32
    %dma_wait3A_166 = tpu.memref_slice %arg8[%mul3A_2, %dma_wait3A_165] : memref<16384x128xf32, #tpu.memory_space<hbm>> -> memref<64x128xf32, #tpu.memory_space<hbm>>
    %dma_wait3A_167 = arith.constant 0 : i32
    %dma_wait3A_168 = tpu.memref_slice %arg8[%mul3A_2, %dma_wait3A_167] : memref<16384x128xf32, #tpu.memory_space<hbm>> -> memref<64x128xf32, #tpu.memory_space<hbm>>
    tpu.wait_dma2 semaphore(%arg36 : memref<!tpu.dma_semaphore, #tpu.memory_space<semaphore_mem>>) src(%arg19 : memref<64x128xf32, #tpu.memory_space<vmem>>) dst(%dma_wait3A_168 : memref<64x128xf32, #tpu.memory_space<hbm>>)
    %dma_wait3A_169 = arith.constant 0 : i32
    %dma_wait3A_170 = tpu.memref_slice %arg9[%mul3A_2, %dma_wait3A_169] : memref<16384x128xf32, #tpu.memory_space<hbm>> -> memref<64x128xf32, #tpu.memory_space<hbm>>
    %dma_wait3A_171 = arith.constant 0 : i32
    %dma_wait3A_172 = tpu.memref_slice %arg9[%mul3A_2, %dma_wait3A_171] : memref<16384x128xf32, #tpu.memory_space<hbm>> -> memref<64x128xf32, #tpu.memory_space<hbm>>
    tpu.wait_dma2 semaphore(%arg37 : memref<!tpu.dma_semaphore, #tpu.memory_space<semaphore_mem>>) src(%arg20 : memref<64x128xf32, #tpu.memory_space<vmem>>) dst(%dma_wait3A_172 : memref<64x128xf32, #tpu.memory_space<hbm>>)
    %dma_wait3A_173 = arith.constant 0 : i32
    %dma_wait3A_174 = tpu.memref_slice %arg10[%mul3A_2, %dma_wait3A_173] : memref<16384x128xf32, #tpu.memory_space<hbm>> -> memref<64x128xf32, #tpu.memory_space<hbm>>
    %dma_wait3A_175 = arith.constant 0 : i32
    %dma_wait3A_176 = tpu.memref_slice %arg10[%mul3A_2, %dma_wait3A_175] : memref<16384x128xf32, #tpu.memory_space<hbm>> -> memref<64x128xf32, #tpu.memory_space<hbm>>
    tpu.wait_dma2 semaphore(%arg38 : memref<!tpu.dma_semaphore, #tpu.memory_space<semaphore_mem>>) src(%arg21 : memref<64x128xf32, #tpu.memory_space<vmem>>) dst(%dma_wait3A_176 : memref<64x128xf32, #tpu.memory_space<hbm>>)
    %dma_wait3A_177 = arith.constant 0 : i32
    %dma_wait3A_178 = tpu.memref_slice %arg11[%mul3A_2, %dma_wait3A_177] : memref<16384x128xf32, #tpu.memory_space<hbm>> -> memref<64x128xf32, #tpu.memory_space<hbm>>
    %dma_wait3A_179 = arith.constant 0 : i32
    %dma_wait3A_180 = tpu.memref_slice %arg11[%mul3A_2, %dma_wait3A_179] : memref<16384x128xf32, #tpu.memory_space<hbm>> -> memref<64x128xf32, #tpu.memory_space<hbm>>
    tpu.wait_dma2 semaphore(%arg39 : memref<!tpu.dma_semaphore, #tpu.memory_space<semaphore_mem>>) src(%arg22 : memref<64x128xf32, #tpu.memory_space<vmem>>) dst(%dma_wait3A_180 : memref<64x128xf32, #tpu.memory_space<hbm>>)
    "tpu.region"() ({
      %run_scoped3A = tpu.sem_alloc : memref<!tpu.dma_semaphore, #tpu.memory_space<semaphore_mem>>
      %dma_start3A_181 = tpu.memref_slice %arg12[%mul3A_2] : memref<16384xf32, #tpu.memory_space<hbm>> -> memref<512xf32, #tpu.memory_space<hbm>>
      %dma_start3A_182 = tpu.memref_slice %arg12[%mul3A_2] : memref<16384xf32, #tpu.memory_space<hbm>> -> memref<512xf32, #tpu.memory_space<hbm>>
      tpu.enqueue_dma source(%arg23 : memref<512xf32, #tpu.memory_space<vmem>>) target(%dma_start3A_182 : memref<512xf32, #tpu.memory_space<hbm>>) target_semaphore(%run_scoped3A : memref<!tpu.dma_semaphore, #tpu.memory_space<semaphore_mem>>)
      %dma_wait3A_183 = tpu.memref_slice %arg12[%mul3A_2] : memref<16384xf32, #tpu.memory_space<hbm>> -> memref<512xf32, #tpu.memory_space<hbm>>
      %dma_wait3A_184 = tpu.memref_slice %arg12[%mul3A_2] : memref<16384xf32, #tpu.memory_space<hbm>> -> memref<512xf32, #tpu.memory_space<hbm>>
      tpu.wait_dma2 semaphore(%run_scoped3A : memref<!tpu.dma_semaphore, #tpu.memory_space<semaphore_mem>>) src(%arg23 : memref<512xf32, #tpu.memory_space<vmem>>) dst(%dma_wait3A_184 : memref<512xf32, #tpu.memory_space<hbm>>)
      tpu.yield
    }) : () -> ()
    return
  }
}

</mosaic_0001>

<sc_bundles>
// kernel: kernel.3.cloned.1.call-start
scs
__scs_entry_jumppad:
0x0: {  	(pc) =	sbr.rel $0x88, $3  }
0x1: {  	(tag) =	ssettag $0x0;
	lr =	simm.s32 $0x1  }
0x2: {  	[smem:$0x3F9B] =	sst lr;
	_ =	strace $0xD0000000  }
0x3: {  	_ = 	snop  }
0x4: {  	_ = 	snop  }
0x5: {  	_ = 	snop  }
0x6: {  	_ = 	snop  }
0x7: {  	_ = 	snop  }
__scs_overlays_trampoline_lowered:
0x8: {  	[smem:$0x3FAA] =	sst s0  }
0x9: {  	[smem:$0x3FAB] =	sst s1  }
0xa: {  	[smem:$0x3FAC] =	sst s2  }
0xb: {  	[smem:$0x3FAD] =	sst s3  }
0xc: {  	[smem:$0x3FAE] =	sst s4  }
0xd: {  	[smem:$0x3FAF] =	sst s5  }
0xe: {  	[smem:$0x3FB0] =	sst s6  }
0xf: {  	[smem:$0x3FB1] =	sst s7  }
0x10: {  	[smem:$0x3FB2] =	sst s8  }
0x11: {  	[smem:$0x3FB3] =	sst s9;
	s0 =	simm.s32 @!p0 $0x0  }
0x12: {  	s1 =	sld [smem:$0x3F99];
	s0 =	simm.s32 @p0 $0x1  }
0x13: {  	[smem:$0x3FB4] =	sst s0;
	s0 =	simm.s32 @!p1 $0x0  }
0x14: {  	s2 =	sld [smem:$0x3F98];
	s0 =	simm.s32 @p1 $0x1  }
0x15: {  	[smem:$0x3FB5] =	sst s0;
	s0 =	simm.s32 @!p2 $0x0  }
0x16: {  	s3 =	sld [smem:$0x3FDB];
	s0 =	simm.s32 @p2 $0x1  }
0x17: {  	s4 =	simm.s32 $0x1BF5;
	[smem:$0x3FB7] =	sst s0  }
0x18: {  	s0 =	sld [smem:$0x3F9A];
	_ =	swait.ge [sflag:s4], $0x0  }
0x19: {  	s7 =	sld [smem:$0x3F9B]  }
0x1a: {  	s8 =	sadd.s32 $0xFFFFE003, lr  }
0x1b: {  	s9 =	sadd.s32 $0xFFFFFEF7, lr;
	s5 =	simm.s32 $0xFFFFFFFF;
	p2 =	slt.u32 s8, $0xFFFFF086  }
0x1c: {  	p1 =	slt.u32 s9, $0xF7A;
	s5 =	simm.s32 @!p2 $0x0  }
0x1d: {  	s5 =	simm.s32 @p1 $0x1;
	p0 =	seq.s32 s7, s2  }
0x1e: {  	s7 =	smul.u32 @!p0 $0xF7A, s2;
	p2 =	seq.s32 @!p0 s5, $0x0  }
0x1f: {  	s9 =	smul.u32 $0xF7A, s1;
	s8 =	simm.s32 @!p0 $0x1BF5;
	p2 =	por !p2, p0  }
0x20: {  	[sflag:s8] =	ssyncset.s32 @!p0 $0xFFFFF086;
	s6 =	sadd.s32 @!p0 s3, s7;
	s7 =	simm.s32 @!p0 $0x108  }
0x21: {  	s3 =	sadd.s32 s3, s9;
	s6 =	sadd.s32 @!p0 $0x88, s6;
	s7 =	simm.s32 @p2 $0x1082  }
0x22: {  	[simem:s7], [sflag:s8] =	dma.local @!p0 [hbm:s6], $0xF7A  }
0x23: {  	s9 =	sor.u32 $0xD0000000, s2;
	s6 =	simm.s32 $0x108;
	_ =	swait.ge @!p0 [sflag:s8], $0x0  }
0x24: {  	s3 =	sadd.s32 $0x88, s3;
	s6 =	simm.s32 @!p1 $0x1082;
	[sflag:s4] =	ssyncset.s32 $0xFFFFF086  }
0x25: {  	[simem:s6], [sflag:s4] =	dma.local [hbm:s3], $0xF7A  }
0x26: {  	[smem:$0x3F9B] =	sst s1;
	(tag) =	ssettag s2;
	_ =	strace s9  }
0x27: {  	s1 =	sld [smem:$0x3FAB]  }
0x28: {  	s2 =	sld [smem:$0x3FAC]  }
0x29: {  	s4 =	sld [smem:$0x3FAE]  }
0x2a: {  	p0 =	seq.s32 s5, $0x0;
	s5 =	sld [smem:$0x3FAF]  }
0x2b: {  	s6 =	sld [smem:$0x3FB0]  }
0x2c: {  	s7 =	sld [smem:$0x3FB1]  }
0x2d: {  	s3 =	simm.s32 $0x108;
	s8 =	sld [smem:$0x3FB2]  }
0x2e: {  	s3 =	simm.s32 @!p0 $0x1082;
	s9 =	sld [smem:$0x3FB3]  }
0x2f: {  	lr =	sadd.s32 s0, s3;
	s0 =	sld [smem:$0x3FAA]  }
0x30: {  	s3 =	sld [smem:$0x3FAD]  }
0x31: {  	[smem:$0x3FB6] =	sst s10  }
0x32: {  	s10 =	sld [smem:$0x3FB4];
	_ =	sdelay $0x3  }
0x33: {  	p0 =	seq.s32 s10, $0x1;
	s10 =	sld [smem:$0x3FB6];
	_ =	sdelay $0x3  }
0x34: {  	[smem:$0x3FB6] =	sst s10  }
0x35: {  	s10 =	sld [smem:$0x3FB5];
	_ =	sdelay $0x3  }
0x36: {  	p1 =	seq.s32 s10, $0x1;
	s10 =	sld [smem:$0x3FB6];
	_ =	sdelay $0x3  }
0x37: {  	[smem:$0x3FB6] =	sst s10  }
0x38: {  	s10 =	sld [smem:$0x3FB7]  }
0x39: {  	_ = 	snop;
	(pc) =	sbr.ind lr, $3  }
0x3a: {  	_ = 	snop  }
0x3b: {  	_ = 	snop  }
0x3c: {  	p2 =	seq.s32 s10, $0x1;
	s10 =	sld [smem:$0x3FB6]  }
0x3d: {  	_ =	shalt  }
0x3e: {  	_ =	shalt  }
0x3f: {  	_ =	shalt  }
0x40: {  	_ =	shalt  }
0x41: {  	_ =	shalt  }
0x42: {  	_ =	shalt  }
0x43: {  	_ =	shalt  }
0x44: {  	_ =	shalt  }
0x45: {  	_ =	shalt  }
0x46: {  	_ =	shalt  }
0x47: {  	_ =	shalt  }
0x48: {  	_ =	shalt  }
0x49: {  	_ =	shalt  }
0x4a: {  	_ =	shalt  }
0x4b: {  	_ =	shalt  }
0x4c: {  	_ =	shalt  }
0x4d: {  	_ =	shalt  }
0x4e: {  	_ =	shalt  }
0x4f: {  	_ =	shalt  }
0x50: {  	_ =	shalt  }
0x51: {  	_ =	shalt  }
0x52: {  	_ =	shalt  }
0x53: {  	_ =	shalt  }
0x54: {  	_ =	shalt  }
0x55: {  	_ =	shalt  }
0x56: {  	_ =	shalt  }
0x57: {  	_ =	shalt  }
0x58: {  	_ =	shalt  }
0x59: {  	_ =	shalt  }
0x5a: {  	_ =	shalt  }
0x5b: {  	_ =	shalt  }
0x5c: {  	_ =	shalt  }
0x5d: {  	_ =	shalt  }
0x5e: {  	_ =	shalt  }
0x5f: {  	_ =	shalt  }
0x60: {  	_ =	shalt  }
0x61: {  	_ =	shalt  }
0x62: {  	_ =	shalt  }
0x63: {  	_ =	shalt  }
0x64: {  	_ =	shalt  }
0x65: {  	_ =	shalt  }
0x66: {  	_ =	shalt  }
0x67: {  	_ =	shalt  }
0x68: {  	_ =	shalt  }
0x69: {  	_ =	shalt  }
0x6a: {  	_ =	shalt  }
0x6b: {  	_ =	shalt  }
0x6c: {  	_ =	shalt  }
0x6d: {  	_ =	shalt  }
0x6e: {  	_ =	shalt  }
0x6f: {  	_ =	shalt  }
0x70: {  	_ =	shalt  }
0x71: {  	_ =	shalt  }
0x72: {  	_ =	shalt  }
0x73: {  	_ =	shalt  }
0x74: {  	_ =	shalt  }
0x75: {  	_ =	shalt  }
0x76: {  	_ =	shalt  }
0x77: {  	_ =	shalt  }
0x78: {  	_ =	shalt  }
0x79: {  	_ =	shalt  }
0x7a: {  	_ =	shalt  }
0x7b: {  	_ =	shalt  }
0x7c: {  	_ =	shalt  }
0x7d: {  	_ =	shalt  }
0x7e: {  	_ =	shalt  }
0x7f: {  	_ =	shalt  }
0x80: {  	_ =	shalt  }
0x81: {  	_ =	shalt  }
0x82: {  	_ =	shalt  }
0x83: {  	_ =	shalt  }
0x84: {  	_ =	shalt  }
0x85: {  	_ =	shalt  }
0x86: {  	_ =	shalt  }
0x87: {  	_ =	shalt  }
.Lfunc_end0:
.L_simem_size_0:
called_computation_lowered:
.L_overlay_start_0:
0x88: {  	s2 =	sld [smem:$0x3FD9]  }
0x89: {  	s3 =	sld [smem:$0x3FFE];
	_ =	sdelay $0x1  }
0x8a: {  	s1 =	srdreg.scid  }
0x8b: {  	s0 =	sand.u32 $0x1, s1  }
0x8c: {  	s30 =	sshll.u32 s0, $0xA;
	s2 =	sadd.s32 s3, s2  }
0x8d: {  	s2 =	sadd.s32 s2, s30  }
0x8e: {  	[smem:$0x3FC2] =	sst s2  }
0x8f: {  	_ = 	snop  }
0x90: {  	s2 =	sld [smem:$0x3FC9]  }
0x91: {  	s31 =	sld [smem:$0x3FC8]  }
0x92: {  	s4 =	sld [smem:$0x3FC7]  }
0x93: {  	s5 =	sld [smem:$0x3FD0]  }
0x94: {  	s6 =	sld [smem:$0x3FC6]  }
0x95: {  	s7 =	sld [smem:$0x3FC5]  }
0x96: {  	s9 =	simm.s32 $0xA;
	s10 =	simm.s32 $0x10;
	s8 =	sld [smem:$0x3FC4]  }
0x97: {  	[smem:s10], [sflag:s9] =	dma.local [hbm:s5], $0x1  }
0x98: {  	_ =	swait.eq [sflag:s9], $0x1  }
0x99: {  	s10 =	sld [smem:$0x10]  }
0x9a: {  	s18 =	sld [smem:$0x11]  }
0x9b: {  	s11 =	sld [smem:$0x12];
	[sflag:s9] =	ssyncset.done $0x0  }
0x9c: {  	s12 =	sld [smem:$0x13];
	[sflag:s9] =	ssyncadd.s32 $0xFFFFFFFF  }
0x9d: {  	s19 =	sld [smem:$0x14];
	(tm) =	ssettm $0x1  }
0x9e: {  	s13 =	sld [smem:$0x3FFB];
	_ =	sdelay $0x3  }
0x9f: {  	_ =	strace s13  }
0xa0: {  	s13 =	sld [smem:$0x3FFC];
	_ =	sdelay $0x3  }
0xa1: {  	_ =	strace s13  }
0xa2: {  	s13 =	sld [smem:$0x3FFD];
	_ =	sdelay $0x3  }
0xa3: {  	_ =	strace s13  }
0xa4: {  	_ =	strace $0x8FFFFFFF  }
0xa5: {  	s20 =	sld [smem:$0x3FDB];
	_ =	sdelay $0x1  }
0xa6: {  	s14 =	simm.s32 $_scs_section_size  }
0xa7: {  	s15 =	simm.s32 $_size__tile_overlayer_lowered;
	s16 =	simm.s32 $_tile_overlayer_lowered  }
0xa8: {  	s23 =	simm.s32 $0x1BFF;
	s22 =	sshll.u32 s16, $0x1;
	s13 =	sadd.s32 s14, s20  }
0xa9: {  	s17 =	simm.s32 $0x0;
	s21 =	sshll.u32 s15, $0x1;
	s15 =	sadd.s32 s22, s13  }
0xaa: {  	[timem:s17], [sflag:s23] =	dma.local [hbm:s15], s21  }
0xab: {  	_ =	swait.ge [sflag:s23], s21  }
0xac: {  	s14 =	ssub.s32 $0x0, s21;
	[sflag:s23] =	ssyncset.done $0x0  }
0xad: {  	[sflag:s23] =	ssyncadd.s32 s14;
	_ =	sdelay $0x1  }
0xae: {  	s24 =	simm.s32 $0x1B8B  }
0xaf: {  	_ =	swait.ge [sflag:s24], $0x1  }
0xb0: {  	[sflag:s24] =	ssyncset.done $0x0  }
0xb1: {  	s25 =	simm.s32 $0x1B8E;
	[sflag:s24] =	ssyncadd.s32 $0xFFFFFFFF  }
0xb2: {  	s26 =	simm.s32 $execute0_lowered;
	[smem:$0x3FD2] =	sst s25  }
0xb3: {  	s14 =	sshll.u32 s26, $0x1;
	_ =	strace $0x80000046;
	[dreg:$0x1] =	wrdreg $0xFFFFFFFF  }
0xb4: {  	s28 =	simm.s32 $_size_execute0_lowered;
	s13 =	sadd.s32 s13, s14;
	[dreg:$0x0] =	wrdreg $0x0  }
0xb5: {  	s14 =	sshll.u32 s28, $0x1;
	[dreg:$0x2] =	wrdreg s13  }
0xb6: {  	[dreg:$0x3] =	wrdreg s14  }
0xb7: {  	[dreg:$0x4] =	wrdreg $0xC0  }
0xb8: {  	_ =	task [dreg:s17], $0x5FFFF  }
0xb9: {  	[dreg:$0x1] =	wrdreg $0xFFFFFFFF  }
0xba: {  	[dreg:$0x0] =	wrdreg $0x60  }
0xbb: {  	[dreg:$0x2] =	wrdreg s2  }
0xbc: {  	[dreg:$0x3] =	wrdreg s31  }
0xbd: {  	[dreg:$0x4] =	wrdreg s4  }
0xbe: {  	[dreg:$0x5] =	wrdreg s6  }
0xbf: {  	[dreg:$0x6] =	wrdreg s7  }
0xc0: {  	[dreg:$0x7] =	wrdreg s8  }
0xc1: {  	[dreg:$0x8] =	wrdreg s10  }
0xc2: {  	[dreg:$0x9] =	wrdreg s18  }
0xc3: {  	[dreg:$0xa] =	wrdreg s11  }
0xc4: {  	[dreg:$0xb] =	wrdreg s12  }
0xc5: {  	[dreg:$0xc] =	wrdreg s19  }
0xc6: {  	[dreg:$0xd] =	wrdreg $0x9  }
0xc7: {  	_ =	task.clear_ibuf [dreg:s17], $0xEFFFF;
	_ =	strace $0x90000046  }
0xc8: {  	s29 =	simm.s32 $0x9;
	_ =	strace $0x80000048  }
0xc9: {  	_ =	swait.ge [sflag:s29], $0x1  }
0xca: {  	[sflag:s29] =	ssyncadd.s32 $0xFFFFFFFF  }
0xcb: {  	_ =	strace $0x90000048  }
0xcc: {  	_ =	sfence  }
0xcd: {  	s30 =	sld [smem:$0x0];
	_ =	sdelay $0x2  }
0xce: {  	s31 =	sshll.u32 s1, $0xD;
	s1 =	sshrl.u32 s1, $0x2  }
0xcf: {  	s3 =	sand.u32 $0x4000, s31;
	s1 =	sadd.s32 s1, s30  }
0xd0: {  	s0 =	sor.u32 s3, s0;
	s1 =	sshll.u32 s1, $0x11  }
0xd1: {  	s0 =	sor.u32 s1, s0  }
0xd2: {  	s0 =	sadd.s32 $0x8F2B, s0  }
0xd3: {  	[sflag:s0] =	ssyncadd.remote.s32 $0x1  }
0xd4: {  	_ =	sfence.sel $0xFFFF  }
0xd5: {  	[dreg:$0x0] =	wrdreg $0xFFFFFFFF;
	(pc) =	sbr.abs _section_cstart, $3  }
0xd6: {  	[dreg:$0x1] =	wrdreg $0xFFFFFFFF  }
0xd7: {  	_ =	task.clear_ibuf [dreg:s17], $0x2FFFF;
	_ =	strace $0x9FFFFFFF  }
0xd8: {  	(tm) =	ssettm $0x7FFFFFFF  }
0xd9: {  	_ =	shalt  }
tec
execute0_lowered:
.L_overlay_start_1:
0x0: {  	(tag) =	ssettag $0x1  }
0x1: {  	s0 =	rddreg [dreg:$0x0]  }
0x2: {  	s1 =	rddreg [dreg:$0x1]  }
0x3: {  	s31 =	rddreg [dreg:$0x2]  }
0x4: {  	s6 =	rddreg [dreg:$0x6]  }
0x5: {  	s7 =	rddreg [dreg:$0x7]  }
0x6: {  	s8 =	rddreg [dreg:$0x8]  }
0x7: {  	s9 =	rddreg [dreg:$0x9]  }
0x8: {  	s2 =	rddreg [dreg:$0xa]  }
0x9: {  	s3 =	srdreg.scid;
	s4 =	stileid.u32  }
0xa: {  	s12 =	simm.s32 $0x0;
	s13 =	simm.s32 $0x8400;
	s3 =	sand.u32 $0x1, s3  }
0xb: {  	s29 =	simm.s32 $0xA400;
	s4 =	sshll.u32 s4, $0xA;
	s5 =	sshll.u32 s3, $0x9  }
0xc: {  	s14 =	simm.s32 $0x3;
	s15 =	simm.s32 $0x4;
	s11 =	sor.u32 s5, s4  }
0xd: {  	s16 =	simm.s32 $0x2;
	[smem:$0x7FF] =	sst s12;
	s5 =	sshrl.u32 s11, $0x3  }
0xe: {  	s17 =	simm.s32 $0x9;
	_ =	strace $0x80000047;
	s0 =	sadd.s32 s0, s5  }
0xf: {  	s19 =	sshll.u32 s11, $0x4;
	s1 =	sadd.s32 s1, s5;
	[dreg:$0xc] =	wrdreg s0  }
0x10: {  	s3 =	ssub.s32 $0x2, s3;
	s20 =	sadd.s32 s8, s19;
	[dreg:$0xd] =	wrdreg s1  }
0x11: {  	s18 =	sshrl.u32 s3, $0x1;
	s21 =	sadd.s32 s9, s19;
	[dreg:$0xe] =	wrdreg s20  }
0x12: {  	s4 =	simm.s32 $0x400;
	s22 =	sadd.s32 s6, s19;
	[dreg:$0xf] =	wrdreg s21  }
0x13: {  	s3 =	ssub.s32 s3, s18;
	s23 =	sadd.s32 s7, s19;
	[dreg:$0x10] =	wrdreg s22  }
0x14: {  	s18 =	simm.s32 $0xA;
	s28 =	sadd.s32 s2, s5;
	[dreg:$0x11] =	wrdreg s23  }
0x15: {  	s30 =	smax.u32 s3, $0x1;
	s5 =	simm.s32 $0xE;
	[dreg:$0x16] =	wrdreg s28  }
0x16: {  	s2 =	simm.s32 $0x0;
	s0 =	sor.u32 $0x1C00, s19;
	[dreg:$0x17] =	wrdreg s30  }
0x17: {  	s1 =	simm.s32 $0x11;
	s19 =	simm.s32 $0xB;
	s20 =	simm.s32 $0xC  }
0x18: {  	s21 =	simm.s32 $0x7;
	s22 =	simm.s32 $0x8;
	s24 =	sadd.s32 s8, s0  }
0x19: {  	s23 =	simm.s32 $0x5;
	s25 =	sadd.s32 s9, s0;
	[dreg:$0x12] =	wrdreg s24  }
0x1a: {  	s26 =	sadd.s32 s6, s0;
	s0 =	sadd.s32 s7, s0;
	[dreg:$0x13] =	wrdreg s25  }
0x1b: {  	s8 =	simm.s32 $0x2400;
	s6 =	simm.s32 $0xF;
	[dreg:$0x14] =	wrdreg s26  }
0x1c: {  	s7 =	simm.s32 $0x10;
	s9 =	simm.s32 $0x1;
	[dreg:$0x15] =	wrdreg s0  }
0x1d: {  	v0 =	vlaneseq.u32;
	s26 =	simm.s32 $0x40;
	s25 =	simm.s32 $0x6;
	s24 =	simm.s32 $0xD  }
.LBB2_1:
0x1e: {  	[dreg:$0x18] =	wrdreg s2  }
0x1f: {  	s0 =	rddreg [dreg:$0xc]  }
0x20: {  	[tilespmem:s12], [sflag:$0x11] =	stream.linear.gather [hbm4b:s0+s12], $0x200, $0x38;
	[tilespmem:$0x10600] =	vst v63  }
0x21: {  	_ =	swait.ge [sflag:s1], $0x200  }
0x22: {  	[sflag:s1] =	ssyncset.done $0x0  }
0x23: {  	s3 =	simm.s32 $0x200;
	s10 =	rddreg [dreg:$0xd];
	[sflag:s1] =	ssyncadd.s32 $0xFFFFFE00  }
0x24: {  	[tilespmem:s3], [sflag:$0x11] =	stream.linear.gather [hbm4b:s10+s12], $0x200, $0x38;
	[tilespmem:$0x10600] =	vst v63  }
0x25: {  	_ =	swait.ge [sflag:s1], $0x200  }
0x26: {  	[sflag:s1] =	ssyncset.done $0x0  }
0x27: {  	[sflag:s1] =	ssyncadd.s32 $0xFFFFFE00  }
0x28: {  	[tilespmem:s4], [sflag:$0x1] =	stream.indirect.gather [hbm4b:s31+s26], $0x80, s12, s26, $0xb8;
	[tilespmem:$0x10600] =	vst v63  }
0x29: {  	s30 =	rddreg [dreg:$0x3]  }
0x2a: {  	[tilespmem:s8], [sflag:$0x2] =	stream.indirect.gather [hbm4b:s30+s26], $0x80, s3, s26, $0xb8;
	[tilespmem:$0x10600] =	vst v63  }
0x2b: {  	s10 =	simm.s32 $0x0;
	s1 =	rddreg [dreg:$0x4];
	s12 =	simm.s32 $0x4400  }
0x2c: {  	[tilespmem:s12], [sflag:$0x3] =	stream.indirect.gather [hbm4b:s1+s26], $0x80, s10, s26, $0xb8;
	[tilespmem:$0x10600] =	vst v63  }
0x2d: {  	s28 =	simm.s32 $0x6400;
	s2 =	rddreg [dreg:$0x5]  }
0x2e: {  	[tilespmem:s28], [sflag:$0x4] =	stream.indirect.gather [hbm4b:s2+s26], $0x80, s3, s26, $0xb8;
	[tilespmem:$0x10600] =	vst v63  }
0x2f: {  	_ = 	snop  }
0x30: {  	[tilespmem:s13], [sflag:$0x5] =	stream.indirect.gather [hbm4b:s31+s26], $0x80, s26, s26, $0xb8;
	[tilespmem:$0x10600] =	vst v63  }
0x31: {  	s3 =	simm.s32 $0x240  }
0x32: {  	[tilespmem:s29], [sflag:$0x6] =	stream.indirect.gather [hbm4b:s30+s26], $0x80, s3, s26, $0xb8;
	[tilespmem:$0x10600] =	vst v63  }
0x33: {  	s30 =	simm.s32 $0xC400  }
0x34: {  	[tilespmem:s30], [sflag:$0x7] =	stream.indirect.gather [hbm4b:s1+s26], $0x80, s26, s26, $0xb8;
	[tilespmem:$0x10600] =	vst v63  }
0x35: {  	s13 =	simm.s32 $0xE400  }
0x36: {  	[tilespmem:s13], [sflag:$0x8] =	stream.indirect.gather [hbm4b:s2+s26], $0x80, s3, s26, $0xb8;
	[tilespmem:$0x10600] =	vst v63  }
0x37: {  	_ =	swait.ge [sflag:s14], $0x2000  }
0x38: {  	[sflag:s14] =	ssyncset.done $0x0  }
0x39: {  	s29 =	rddreg [dreg:$0xe];
	[sflag:s14] =	ssyncadd.s32 $0xFFFFE000  }
0x3a: {  	[hbm4b:s29+s10] =	stream.linear.scatter [tilespmem:s12], [sflag:$0xB], $0x2000, $0x38;
	[tilespmem:$0x10600] =	vst v63  }
0x3b: {  	_ =	swait.ge [sflag:s15], $0x2000  }
0x3c: {  	s1 =	simm.s32 $0x4480;
	[sflag:s15] =	ssyncset.done $0x0  }
0x3d: {  	s12 =	simm.s32 $0x0;
	s30 =	rddreg [dreg:$0xf];
	[sflag:s15] =	ssyncadd.s32 $0xFFFFE000  }
0x3e: {  	[hbm4b:s30+s12] =	stream.linear.scatter [tilespmem:s28], [sflag:$0xC], $0x2000, $0x38;
	[tilespmem:$0x10600] =	vst v63  }
0x3f: {  	s2 =	simm.s32 $0x6480;
	v1 =	vld [tilespmem:s1+$0x70]  }
0x40: {  	v2 =	vld [tilespmem:s2+$0x70]  }
0x41: {  	v3 =	vld [tilespmem:s1+$0x60]  }
0x42: {  	v4 =	vld [tilespmem:s2+$0x60]  }
0x43: {  	v5 =	vld [tilespmem:s1+$0x50]  }
0x44: {  	v6 =	vld [tilespmem:s2+$0x50]  }
0x45: {  	v7 =	vld [tilespmem:s1+$0x40]  }
0x46: {  	v8 =	vld [tilespmem:s2+$0x40]  }
0x47: {  	v9 =	vld [tilespmem:s1+$0x30]  }
0x48: {  	v10 =	vld [tilespmem:s2+$0x30]  }
0x49: {  	v11 =	vld [tilespmem:s1+$0x20]  }
0x4a: {  	v12 =	vld [tilespmem:s2+$0x20]  }
0x4b: {  	v13 =	vld [tilespmem:s1+$0x0]  }
0x4c: {  	v14 =	vld [tilespmem:s2+$0x0]  }
0x4d: {  	v15 =	vld [tilespmem:s1+$0x10]  }
0x4e: {  	v16 =	vld [tilespmem:s2+$0x10]  }
0x4f: {  	v17 =	vld [tilespmem:s2+$0xFFFFFF80]  }
0x50: {  	v18 =	vld [tilespmem:s1+$0xFFFFFF80]  }
0x51: {  	v19 =	vld [tilespmem:s1+$0xFFFFFF90]  }
0x52: {  	v20 =	vld [tilespmem:s2+$0xFFFFFF90]  }
0x53: {  	v21 =	vld [tilespmem:s1+$0xFFFFFFA0]  }
0x54: {  	v22 =	vld [tilespmem:s2+$0xFFFFFFA0]  }
0x55: {  	v23 =	vld [tilespmem:s1+$0xFFFFFFB0]  }
0x56: {  	v13 =	vmul.f32 v14, v13;
	v14 =	vmul.f32 v16, v15;
	v15 =	vld [tilespmem:s2+$0xFFFFFFB0]  }
0x57: {  	v16 =	vmul.f32 v17, v18;
	v17 =	vmul.f32 v20, v19;
	v18 =	vld [tilespmem:s1+$0xFFFFFFC0]  }
0x58: {  	v11 =	vmul.f32 v12, v11;
	v12 =	vld [tilespmem:s2+$0xFFFFFFC0];
	v13 =	vadd.f32 v14, v13  }
0x59: {  	v9 =	vmul.f32 v10, v9;
	v10 =	vld [tilespmem:s2+$0xFFFFFFD0];
	v14 =	vadd.f32 v17, v16;
	v16 =	vmul.f32 v22, v21  }
0x5a: {  	v17 =	vld [tilespmem:s1+$0xFFFFFFD0];
	v11 =	vadd.f32 v11, v13  }
0x5b: {  	v7 =	vmul.f32 v8, v7;
	v8 =	vld [tilespmem:s2+$0xFFFFFFE0];
	v13 =	vadd.f32 v16, v14;
	v14 =	vmul.f32 v15, v23  }
0x5c: {  	v15 =	vld [tilespmem:s1+$0xFFFFFFE0];
	v9 =	vadd.f32 v9, v11  }
0x5d: {  	v5 =	vmul.f32 v6, v5;
	v6 =	vld [tilespmem:s2+$0xFFFFFFF0];
	v12 =	vmul.f32 v12, v18;
	v11 =	vadd.f32 v14, v13  }
0x5e: {  	v13 =	vld [tilespmem:s1+$0xFFFFFFF0];
	v7 =	vadd.f32 v7, v9  }
0x5f: {  	v10 =	vmul.f32 v10, v17;
	v9 =	vadd.f32 v12, v11  }
0x60: {  	v3 =	vmul.f32 v4, v3;
	v5 =	vadd.f32 v5, v7  }
0x61: {  	v7 =	vmul.f32 v8, v15;
	v4 =	vadd.f32 v10, v9  }
0x62: {  	v1 =	vmul.f32 v2, v1;
	v3 =	vadd.f32 v3, v5  }
0x63: {  	v2 =	vadd.f32 v7, v4;
	v4 =	vmul.f32 v6, v13  }
0x64: {  	v1 =	vadd.f32 v1, v3  }
0x65: {  	v2 =	vadd.f32 v4, v2  }
0x66: {  	(xrf2) =	vadd.scan.msk.f32 $0xffff, v1  }
0x67: {  	(xrf2) =	vadd.scan.msk.f32 $0xffff, v2;
	_ =	sdelay $0x8  }
0x68: {  	s2 =	sand.u32 $0x7, s12;
	v1, _, _ =	vpop (xrf2)  }
0x69: {  	s3 =	sshll.u32 s2, $0x1;
	v2, _, _ =	vpop (xrf2)  }
0x6a: {  	s29 =	sshllo.u32 s2, $0x1;
	v3 =	vimm.f32 $0.0e+00;
	v4 =	vmov s3;
	v2 =	vbroadcast v2, $0xF  }
0x6b: {  	vm0 =	veq.s32 v4, v0;
	v4 =	vmov s29;
	v1 =	vbroadcast v1, $0xF  }
0x6c: {  	s30 =	sand.u32 $0xC0, s12;
	vm15 =	veq.s32 v4, v0;
	v2 =	vsel vm0, v2, v3  }
0x6d: {  	s0 =	sshrl.u32 s30, $0x2;
	v1 =	vsel vm15, v1, v2  }
0x6e: {  	s1 =	simm.s32 $0x4580;
	[tilespmem:s0+$0x10400] =	vst v1  }
0x6f: {  	s0 =	simm.s32 $0x6580;
	v2 =	vld [tilespmem:s1+$0x70]  }
0x70: {  	v3 =	vld [tilespmem:s0+$0x70]  }
0x71: {  	v4 =	vld [tilespmem:s1+$0x60]  }
0x72: {  	v5 =	vld [tilespmem:s0+$0x60]  }
0x73: {  	v6 =	vld [tilespmem:s1+$0x50]  }
0x74: {  	v7 =	vld [tilespmem:s0+$0x50]  }
0x75: {  	v8 =	vld [tilespmem:s1+$0x40]  }
0x76: {  	v9 =	vld [tilespmem:s0+$0x40]  }
0x77: {  	v10 =	vld [tilespmem:s1+$0x30]  }
0x78: {  	v11 =	vld [tilespmem:s0+$0x30]  }
0x79: {  	v12 =	vld [tilespmem:s1+$0x20]  }
0x7a: {  	v13 =	vld [tilespmem:s0+$0x20]  }
0x7b: {  	v14 =	vld [tilespmem:s1+$0x0]  }
0x7c: {  	v16 =	vld [tilespmem:s0+$0x0]  }
0x7d: {  	v17 =	vld [tilespmem:s1+$0x10]  }
0x7e: {  	v19 =	vld [tilespmem:s0+$0x10]  }
0x7f: {  	v15 =	vld [tilespmem:s0+$0xFFFFFF80]  }
0x80: {  	p0 =	seq.s32 s2, $0x7;
	s2 =	simm.f32 $0.0e+00;
	v18 =	vld [tilespmem:s1+$0xFFFFFF80]  }
0x81: {  	s13 =	simm.s32 $0x4400;
	s10 =	simm.s32 $0x6400;
	s2 =	simm.s32 @!p0 $0x3F800000;
	v20 =	vld [tilespmem:s1+$0xFFFFFF90]  }
0x82: {  	s28 =	simm.s32 $0x2;
	s3 =	simm.s32 $0x1;
	v1 =	vmul.f32 s2, v1;
	s2 =	simm.s32 $0x0;
	v21 =	vld [tilespmem:s0+$0xFFFFFF90]  }
.LBB2_2:
0x83: {  	p0 =	sne.s32 s28, $0x1F;
	v22 =	vld [tilespmem:s1+$0xFFFFFFA0]  }
0x84: {  	v14 =	vmul.f32 v16, v14;
	v16 =	vmul.f32 v19, v17;
	v23 =	vld [tilespmem:s0+$0xFFFFFFA0]  }
0x85: {  	v17 =	vld [tilespmem:s1+$0xFFFFFFB0]  }
0x86: {  	v12 =	vmul.f32 v13, v12;
	v14 =	vadd.f32 v16, v14;
	v19 =	vld [tilespmem:s0+$0xFFFFFFB0]  }
0x87: {  	v13 =	vmul.f32 v15, v18;
	v15 =	vmul.f32 v21, v20;
	v16 =	vld [tilespmem:s1+$0xFFFFFFC0]  }
0x88: {  	v10 =	vmul.f32 v11, v10;
	v12 =	vadd.f32 v12, v14;
	v18 =	vld [tilespmem:s0+$0xFFFFFFC0]  }
0x89: {  	v11 =	vadd.f32 v15, v13;
	v13 =	vmul.f32 v23, v22;
	v14 =	vld [tilespmem:s1+$0xFFFFFFD0]  }
0x8a: {  	v8 =	vmul.f32 v9, v8;
	v10 =	vadd.f32 v10, v12;
	v15 =	vld [tilespmem:s0+$0xFFFFFFD0]  }
0x8b: {  	v9 =	vadd.f32 v13, v11;
	v11 =	vmul.f32 v19, v17;
	v12 =	vld [tilespmem:s1+$0xFFFFFFE0]  }
0x8c: {  	v6 =	vmul.f32 v7, v6;
	v8 =	vadd.f32 v8, v10;
	v13 =	vld [tilespmem:s0+$0xFFFFFFE0]  }
0x8d: {  	v7 =	vadd.f32 v11, v9;
	v9 =	vmul.f32 v18, v16;
	v10 =	vld [tilespmem:s1+$0xFFFFFFF0]  }
0x8e: {  	v4 =	vmul.f32 v5, v4;
	v6 =	vadd.f32 v6, v8;
	v11 =	vld [tilespmem:s0+$0xFFFFFFF0]  }
0x8f: {  	v5 =	vadd.f32 v9, v7;
	v7 =	vmul.f32 v15, v14  }
0x90: {  	v2 =	vmul.f32 v3, v2;
	v4 =	vadd.f32 v4, v6  }
0x91: {  	v3 =	vadd.f32 v7, v5;
	v5 =	vmul.f32 v13, v12  }
0x92: {  	v2 =	vadd.f32 v2, v4  }
0x93: {  	v3 =	vadd.f32 v5, v3;
	v4 =	vmul.f32 v11, v10  }
0x94: {  	(xrf2) =	vadd.scan.msk.f32 $0xffff, v2  }
0x95: {  	v2 =	vadd.f32 v4, v3;
	_ =	sdelay $0x1  }
0x96: {  	(xrf2) =	vadd.scan.msk.f32 $0xffff, v2;
	_ =	sdelay $0x6  }
0x97: {  	v2, _, _ =	vpop (xrf2);
	_ =	sdelay $0x1  }
0x98: {  	s29 =	sand.u32 $0x7, s3;
	s3 =	smov.u32 s28  }
0x99: {  	s30 =	sshll.u32 s29, $0x1;
	v3, _, _ =	vpop (xrf2)  }
0x9a: {  	s2 =	sadd.s32 $0x8, s2;
	v4 =	vmov s30;
	s30 =	sshllo.u32 s29, $0x1;
	v3 =	vbroadcast v3, $0xF  }
0x9b: {  	vm0 =	veq.s32 v4, v0;
	v4 =	vmov s30;
	s30 =	sand.u32 $0xC0, s2;
	v2 =	vbroadcast v2, $0xF  }
0x9c: {  	p1 =	seq.s32 s29, $0x7;
	s29 =	sshrl.u32 s30, $0x2;
	s30 =	simm.f32 $0.0e+00;
	v1 =	vsel vm0, v3, v1;
	vm0 =	veq.s32 v4, v0  }
0x9d: {  	s30 =	simm.s32 @!p1 $0x3F800000;
	v1 =	vsel vm0, v2, v1  }
0x9e: {  	s1 =	sadd.s32 $0x100, s1;
	[tilespmem:s29+$0x10400] =	vst v1;
	v1 =	vmul.f32 s30, v1  }
0x9f: {  	s0 =	sadd.s32 $0x100, s0;
	v2 =	vld [tilespmem:s1+$0x70]  }
0xa0: {  	v3 =	vld [tilespmem:s0+$0x70]  }
0xa1: {  	v4 =	vld [tilespmem:s1+$0x60]  }
0xa2: {  	v5 =	vld [tilespmem:s0+$0x60]  }
0xa3: {  	v6 =	vld [tilespmem:s1+$0x50]  }
0xa4: {  	v7 =	vld [tilespmem:s0+$0x50]  }
0xa5: {  	v8 =	vld [tilespmem:s1+$0x40]  }
0xa6: {  	v9 =	vld [tilespmem:s0+$0x40]  }
0xa7: {  	v10 =	vld [tilespmem:s1+$0x30]  }
0xa8: {  	v11 =	vld [tilespmem:s0+$0x30]  }
0xa9: {  	v12 =	vld [tilespmem:s1+$0x20]  }
0xaa: {  	v13 =	vld [tilespmem:s0+$0x20]  }
0xab: {  	v14 =	vld [tilespmem:s1+$0x0]  }
0xac: {  	v16 =	vld [tilespmem:s0+$0x0]  }
0xad: {  	v17 =	vld [tilespmem:s1+$0x10]  }
.Ltmp0:
0xae: {  	v19 =	vld [tilespmem:s0+$0x10];
	(pc) =	sbr.rel @p0 .LBB2_2-.Ltmp0, $4  }
0xaf: {  	v15 =	vld [tilespmem:s0+$0xFFFFFF80]  }
0xb0: {  	v18 =	vld [tilespmem:s1+$0xFFFFFF80]  }
0xb1: {  	v20 =	vld [tilespmem:s1+$0xFFFFFF90]  }
0xb2: {  	s28 =	sadd.s32 $0x1, s28;
	v21 =	vld [tilespmem:s0+$0xFFFFFF90]  }
0xb3: {  	v22 =	vld [tilespmem:s1+$0xFFFFFFA0]  }
0xb4: {  	v23 =	vld [tilespmem:s0+$0xFFFFFFA0]  }
0xb5: {  	v24 =	vld [tilespmem:s1+$0xFFFFFFB0]  }
0xb6: {  	v14 =	vmul.f32 v16, v14;
	v43 =	vmul.f32 v19, v17;
	v44 =	vld [tilespmem:s0+$0xFFFFFFB0]  }
0xb7: {  	v46 =	vld [tilespmem:s1+$0xFFFFFFC0];
	v15 =	vmul.f32 v15, v18;
	v45 =	vmul.f32 v21, v20  }
0xb8: {  	v12 =	vmul.f32 v13, v12;
	v47 =	vld [tilespmem:s0+$0xFFFFFFC0];
	v14 =	vadd.f32 v43, v14  }
0xb9: {  	v49 =	vld [tilespmem:s1+$0xFFFFFFD0];
	v48 =	vmul.f32 v23, v22;
	v15 =	vadd.f32 v45, v15  }
0xba: {  	v10 =	vmul.f32 v11, v10;
	v50 =	vld [tilespmem:s0+$0xFFFFFFD0];
	v12 =	vadd.f32 v12, v14  }
0xbb: {  	v53 =	vld [tilespmem:s1+$0xFFFFFFE0];
	v52 =	vmul.f32 v44, v24;
	v51 =	vadd.f32 v48, v15  }
0xbc: {  	v8 =	vmul.f32 v9, v8;
	v54 =	vld [tilespmem:s0+$0xFFFFFFE0];
	v10 =	vadd.f32 v10, v12  }
0xbd: {  	v56 =	vld [tilespmem:s1+$0xFFFFFFF0];
	v13 =	vmul.f32 v47, v46;
	v55 =	vadd.f32 v52, v51  }
0xbe: {  	v6 =	vmul.f32 v7, v6;
	v57 =	vld [tilespmem:s0+$0xFFFFFFF0];
	v8 =	vadd.f32 v8, v10  }
0xbf: {  	v11 =	vmul.f32 v50, v49;
	v58 =	vadd.f32 v13, v55  }
0xc0: {  	v4 =	vmul.f32 v5, v4;
	v6 =	vadd.f32 v6, v8  }
0xc1: {  	v60 =	vmul.f32 v54, v53;
	v59 =	vadd.f32 v11, v58  }
0xc2: {  	v2 =	vmul.f32 v3, v2;
	v4 =	vadd.f32 v4, v6  }
0xc3: {  	v61 =	vmul.f32 v57, v56;
	v3 =	vadd.f32 v60, v59  }
0xc4: {  	v2 =	vadd.f32 v2, v4  }
0xc5: {  	v3 =	vadd.f32 v61, v3  }
0xc6: {  	(xrf2) =	vadd.scan.msk.f32 $0xffff, v2  }
0xc7: {  	(xrf2) =	vadd.scan.msk.f32 $0xffff, v3;
	_ =	sdelay $0x8  }
0xc8: {  	s30 =	sand.u32 $0x7, s3;
	v2, _, _ =	vpop (xrf2)  }
0xc9: {  	s3 =	sshll.u32 s30, $0x1;
	v3, _, _ =	vpop (xrf2)  }
0xca: {  	s0 =	sshllo.u32 s30, $0x1;
	v62 =	vmov s3;
	v3 =	vbroadcast v3, $0xF  }
0xcb: {  	s28 =	sadd.s32 $0x8, s2;
	v63 =	vmov s0;
	vm0 =	veq.s32 v62, v0;
	v2 =	vbroadcast v2, $0xF  }
0xcc: {  	s0 =	sand.u32 $0xC0, s28;
	vm15 =	veq.s32 v63, v0;
	v1 =	vsel vm0, v3, v1  }
0xcd: {  	s0 =	sshrl.u32 s0, $0x2;
	v1 =	vsel vm15, v2, v1  }
0xce: {  	[tilespmem:s0+$0x10400] =	vst v1;
	s0 =	simm.s32 $0x1  }
0xcf: {  	_ =	swait.ge [sflag:s0], $0x2000  }
0xd0: {  	[sflag:s0] =	ssyncset.done $0x0  }
0xd1: {  	s29 =	rddreg [dreg:$0x10];
	[sflag:s0] =	ssyncadd.s32 $0xFFFFE000  }
0xd2: {  	[hbm4b:s29+s12] =	stream.linear.scatter [tilespmem:s4], [sflag:$0x9], $0x2000, $0x38;
	[tilespmem:$0x10600] =	vst v63  }
0xd3: {  	_ =	swait.ge [sflag:s16], $0x2000  }
0xd4: {  	[sflag:s16] =	ssyncset.done $0x0  }
0xd5: {  	s30 =	rddreg [dreg:$0x11];
	[sflag:s16] =	ssyncadd.s32 $0xFFFFE000  }
0xd6: {  	[hbm4b:s30+s12] =	stream.linear.scatter [tilespmem:s8], [sflag:$0xA], $0x2000, $0x38;
	[tilespmem:$0x10600] =	vst v63  }
.LBB2_4:
0xd7: {  	_ =	swait.ge [sflag:s17], $0x2000  }
0xd8: {  	[sflag:s17] =	ssyncset.done $0x0  }
0xd9: {  	[sflag:s17] =	ssyncadd.s32 $0xFFFFE000  }
0xda: {  	_ =	swait.ge [sflag:s18], $0x2000  }
0xdb: {  	[sflag:s18] =	ssyncset.done $0x0  }
0xdc: {  	[sflag:s18] =	ssyncadd.s32 $0xFFFFE000  }
0xdd: {  	_ =	swait.ge [sflag:s19], $0x2000  }
0xde: {  	[sflag:s19] =	ssyncset.done $0x0  }
0xdf: {  	[sflag:s19] =	ssyncadd.s32 $0xFFFFE000  }
0xe0: {  	_ =	swait.ge [sflag:s20], $0x2000  }
0xe1: {  	[sflag:s20] =	ssyncset.done $0x0  }
0xe2: {  	s1 =	sshll.u32 s0, $0x7;
	[sflag:s20] =	ssyncadd.s32 $0xFFFFE000  }
0xe3: {  	[tilespmem:s4], [sflag:$0x1] =	stream.indirect.gather [hbm4b:s31+s26], $0x80, s1, s26, $0xb8;
	[tilespmem:$0x10600] =	vst v63  }
0xe4: {  	s2 =	sadd.s32 $0x200, s1;
	s3 =	rddreg [dreg:$0x3]  }
0xe5: {  	[tilespmem:s8], [sflag:$0x2] =	stream.indirect.gather [hbm4b:s3+s26], $0x80, s2, s26, $0xb8;
	[tilespmem:$0x10600] =	vst v63  }
0xe6: {  	s4 =	rddreg [dreg:$0x4]  }
0xe7: {  	[tilespmem:s13], [sflag:$0x3] =	stream.indirect.gather [hbm4b:s4+s26], $0x80, s1, s26, $0xb8;
	[tilespmem:$0x10600] =	vst v63  }
0xe8: {  	s8 =	rddreg [dreg:$0x5]  }
0xe9: {  	[tilespmem:s10], [sflag:$0x4] =	stream.indirect.gather [hbm4b:s8+s26], $0x80, s2, s26, $0xb8;
	[tilespmem:$0x10600] =	vst v63  }
0xea: {  	s3 =	sadd.s32 s11, s1;
	_ =	swait.ge [sflag:s21], $0x2000  }
0xeb: {  	s2 =	sshll.u32 s3, $0x4;
	[sflag:s21] =	ssyncset.done $0x0  }
0xec: {  	s2 =	sadd.s32 $0xFFFFFC00, s2;
	[sflag:s21] =	ssyncadd.s32 $0xFFFFE000  }
0xed: {  	s3 =	sand.u32 $0x1FFFFC00, s2;
	s4 =	rddreg [dreg:$0x8]  }
0xee: {  	s8 =	simm.s32 $0xC400;
	s2 =	simm.s32 $0x0;
	s28 =	sadd.s32 s4, s3  }
0xef: {  	[hbm4b:s28+s2] =	stream.linear.scatter [tilespmem:s8], [sflag:$0xF], $0x2000, $0x38;
	[tilespmem:$0x10600] =	vst v63  }
0xf0: {  	_ =	swait.ge [sflag:s22], $0x2000  }
0xf1: {  	[sflag:s22] =	ssyncset.done $0x0  }
0xf2: {  	[sflag:s22] =	ssyncadd.s32 $0xFFFFE000  }
0xf3: {  	s8 =	rddreg [dreg:$0x9]  }
0xf4: {  	s28 =	sadd.s32 s8, s3;
	s8 =	simm.s32 $0xE400  }
0xf5: {  	[hbm4b:s28+s2] =	stream.linear.scatter [tilespmem:s8], [sflag:$0x10], $0x2000, $0x38;
	[tilespmem:$0x10600] =	vst v63  }
0xf6: {  	s28 =	simm.s32 $0xC480  }
0xf7: {  	s29 =	simm.s32 $0xE480;
	v1 =	vld [tilespmem:s28+$0x70]  }
0xf8: {  	v2 =	vld [tilespmem:s29+$0x70]  }
0xf9: {  	v3 =	vld [tilespmem:s28+$0x60]  }
0xfa: {  	v4 =	vld [tilespmem:s29+$0x60]  }
0xfb: {  	v5 =	vld [tilespmem:s28+$0x50]  }
0xfc: {  	v6 =	vld [tilespmem:s29+$0x50]  }
0xfd: {  	v7 =	vld [tilespmem:s28+$0x40]  }
0xfe: {  	v8 =	vld [tilespmem:s29+$0x40]  }
0xff: {  	v9 =	vld [tilespmem:s28+$0x30]  }
0x100: {  	v10 =	vld [tilespmem:s29+$0x30]  }
0x101: {  	v11 =	vld [tilespmem:s28+$0x20]  }
0x102: {  	v12 =	vld [tilespmem:s29+$0x20]  }
0x103: {  	v13 =	vld [tilespmem:s28+$0x0]  }
0x104: {  	v14 =	vld [tilespmem:s29+$0x0]  }
0x105: {  	v15 =	vld [tilespmem:s28+$0x10]  }
0x106: {  	v16 =	vld [tilespmem:s29+$0x10]  }
0x107: {  	v17 =	vld [tilespmem:s29+$0xFFFFFF80]  }
0x108: {  	v18 =	vld [tilespmem:s28+$0xFFFFFF80]  }
0x109: {  	v19 =	vld [tilespmem:s28+$0xFFFFFF90]  }
0x10a: {  	v20 =	vld [tilespmem:s29+$0xFFFFFF90]  }
0x10b: {  	v21 =	vld [tilespmem:s28+$0xFFFFFFA0]  }
0x10c: {  	v22 =	vld [tilespmem:s29+$0xFFFFFFA0]  }
0x10d: {  	v23 =	vld [tilespmem:s28+$0xFFFFFFB0]  }
0x10e: {  	v13 =	vmul.f32 v14, v13;
	v14 =	vmul.f32 v16, v15;
	v15 =	vld [tilespmem:s29+$0xFFFFFFB0]  }
0x10f: {  	v16 =	vmul.f32 v17, v18;
	v17 =	vmul.f32 v20, v19;
	v18 =	vld [tilespmem:s28+$0xFFFFFFC0]  }
0x110: {  	v11 =	vmul.f32 v12, v11;
	v12 =	vld [tilespmem:s29+$0xFFFFFFC0];
	v13 =	vadd.f32 v14, v13  }
0x111: {  	v9 =	vmul.f32 v10, v9;
	v10 =	vld [tilespmem:s29+$0xFFFFFFD0];
	v14 =	vadd.f32 v17, v16;
	v16 =	vmul.f32 v22, v21  }
0x112: {  	v17 =	vld [tilespmem:s28+$0xFFFFFFD0];
	v11 =	vadd.f32 v11, v13  }
0x113: {  	v7 =	vmul.f32 v8, v7;
	v8 =	vld [tilespmem:s29+$0xFFFFFFE0];
	v13 =	vadd.f32 v16, v14;
	v14 =	vmul.f32 v15, v23  }
0x114: {  	v15 =	vld [tilespmem:s28+$0xFFFFFFE0];
	v9 =	vadd.f32 v9, v11  }
0x115: {  	v5 =	vmul.f32 v6, v5;
	v6 =	vld [tilespmem:s29+$0xFFFFFFF0];
	v12 =	vmul.f32 v12, v18;
	v11 =	vadd.f32 v14, v13  }
0x116: {  	v13 =	vld [tilespmem:s28+$0xFFFFFFF0];
	v7 =	vadd.f32 v7, v9  }
0x117: {  	v10 =	vmul.f32 v10, v17;
	v9 =	vadd.f32 v12, v11  }
0x118: {  	v3 =	vmul.f32 v4, v3;
	v5 =	vadd.f32 v5, v7  }
0x119: {  	v7 =	vmul.f32 v8, v15;
	v4 =	vadd.f32 v10, v9  }
0x11a: {  	v1 =	vmul.f32 v2, v1;
	v3 =	vadd.f32 v3, v5  }
0x11b: {  	v2 =	vadd.f32 v7, v4;
	v4 =	vmul.f32 v6, v13  }
0x11c: {  	v1 =	vadd.f32 v1, v3  }
0x11d: {  	v2 =	vadd.f32 v4, v2  }
0x11e: {  	(xrf2) =	vadd.scan.msk.f32 $0xffff, v1  }
0x11f: {  	(xrf2) =	vadd.scan.msk.f32 $0xffff, v2;
	_ =	sdelay $0x8  }
0x120: {  	s30 =	sand.u32 $0x7, s2;
	s28 =	sadd.s32 $0x103C0, s1;
	v2, _, _ =	vpop (xrf2)  }
0x121: {  	v1 =	vmov s28;
	s28 =	sshll.u32 s30, $0x1;
	v3, _, _ =	vpop (xrf2)  }
0x122: {  	v4 =	vimm.f32 $0.0e+00;
	v5 =	vmov s28;
	s28 =	sshllo.u32 s30, $0x1;
	v3 =	vbroadcast v3, $0xF  }
0x123: {  	vm0 =	veq.s32 v5, v0;
	v5 =	vmov s28;
	v2 =	vbroadcast v2, $0xF  }
0x124: {  	s28 =	sand.u32 $0xC0, s2;
	vm15 =	veq.s32 v5, v0;
	v3 =	vsel vm0, v3, v4  }
0x125: {  	s28 =	sshrl.u32 s28, $0x2;
	v2 =	vsel vm15, v2, v3  }
0x126: {  	s29 =	simm.s32 $0xC580;
	[tilespmem:v1+s28+$0x0 ss:$0x1] =	vst.idx.msk $0xffff, v2  }
0x127: {  	s28 =	simm.s32 $0xE580;
	v3 =	vld [tilespmem:s29+$0x70]  }
0x128: {  	v4 =	vld [tilespmem:s28+$0x70]  }
0x129: {  	v5 =	vld [tilespmem:s29+$0x60]  }
0x12a: {  	v6 =	vld [tilespmem:s28+$0x60]  }
0x12b: {  	v7 =	vld [tilespmem:s29+$0x50]  }
0x12c: {  	v8 =	vld [tilespmem:s28+$0x50]  }
0x12d: {  	v9 =	vld [tilespmem:s29+$0x40]  }
0x12e: {  	v10 =	vld [tilespmem:s28+$0x40]  }
0x12f: {  	v11 =	vld [tilespmem:s29+$0x30]  }
0x130: {  	v12 =	vld [tilespmem:s28+$0x30]  }
0x131: {  	v13 =	vld [tilespmem:s29+$0x20]  }
0x132: {  	v14 =	vld [tilespmem:s28+$0x20]  }
0x133: {  	v15 =	vld [tilespmem:s29+$0x0]  }
0x134: {  	v17 =	vld [tilespmem:s28+$0x0]  }
0x135: {  	v18 =	vld [tilespmem:s29+$0x10]  }
0x136: {  	v20 =	vld [tilespmem:s28+$0x10]  }
0x137: {  	v16 =	vld [tilespmem:s28+$0xFFFFFF80]  }
0x138: {  	s12 =	smov.u32 s31;
	s31 =	simm.f32 $0.0e+00;
	p0 =	seq.s32 s30, $0x7;
	v19 =	vld [tilespmem:s29+$0xFFFFFF80]  }
0x139: {  	s31 =	simm.s32 @!p0 $0x3F800000;
	v21 =	vld [tilespmem:s29+$0xFFFFFF90]  }
0x13a: {  	s30 =	simm.s32 $0x1;
	v2 =	vmul.f32 s31, v2;
	s31 =	simm.s32 $0x2;
	v22 =	vld [tilespmem:s28+$0xFFFFFF90]  }
.LBB2_5:
0x13b: {  	p0 =	sne.s32 s31, $0x1F;
	v23 =	vld [tilespmem:s29+$0xFFFFFFA0]  }
0x13c: {  	v15 =	vmul.f32 v17, v15;
	v17 =	vmul.f32 v20, v18;
	v24 =	vld [tilespmem:s28+$0xFFFFFFA0]  }
0x13d: {  	v18 =	vld [tilespmem:s29+$0xFFFFFFB0]  }
0x13e: {  	v13 =	vmul.f32 v14, v13;
	v15 =	vadd.f32 v17, v15;
	v20 =	vld [tilespmem:s28+$0xFFFFFFB0]  }
0x13f: {  	v14 =	vmul.f32 v16, v19;
	v16 =	vmul.f32 v22, v21;
	v17 =	vld [tilespmem:s29+$0xFFFFFFC0]  }
0x140: {  	v11 =	vmul.f32 v12, v11;
	v13 =	vadd.f32 v13, v15;
	v19 =	vld [tilespmem:s28+$0xFFFFFFC0]  }
0x141: {  	v12 =	vadd.f32 v16, v14;
	v14 =	vmul.f32 v24, v23;
	v15 =	vld [tilespmem:s29+$0xFFFFFFD0]  }
0x142: {  	v9 =	vmul.f32 v10, v9;
	v11 =	vadd.f32 v11, v13;
	v16 =	vld [tilespmem:s28+$0xFFFFFFD0]  }
0x143: {  	v10 =	vadd.f32 v14, v12;
	v12 =	vmul.f32 v20, v18;
	v13 =	vld [tilespmem:s29+$0xFFFFFFE0]  }
0x144: {  	v7 =	vmul.f32 v8, v7;
	v9 =	vadd.f32 v9, v11;
	v14 =	vld [tilespmem:s28+$0xFFFFFFE0]  }
0x145: {  	v8 =	vadd.f32 v12, v10;
	v10 =	vmul.f32 v19, v17;
	v11 =	vld [tilespmem:s29+$0xFFFFFFF0]  }
0x146: {  	v5 =	vmul.f32 v6, v5;
	v7 =	vadd.f32 v7, v9;
	v12 =	vld [tilespmem:s28+$0xFFFFFFF0]  }
0x147: {  	v6 =	vadd.f32 v10, v8;
	v8 =	vmul.f32 v16, v15  }
0x148: {  	v3 =	vmul.f32 v4, v3;
	v5 =	vadd.f32 v5, v7  }
0x149: {  	v4 =	vadd.f32 v8, v6;
	v6 =	vmul.f32 v14, v13  }
0x14a: {  	v3 =	vadd.f32 v3, v5  }
0x14b: {  	v4 =	vadd.f32 v6, v4;
	v5 =	vmul.f32 v12, v11  }
0x14c: {  	(xrf2) =	vadd.scan.msk.f32 $0xffff, v3  }
0x14d: {  	v3 =	vadd.f32 v5, v4;
	_ =	sdelay $0x1  }
0x14e: {  	(xrf2) =	vadd.scan.msk.f32 $0xffff, v3;
	_ =	sdelay $0x6  }
0x14f: {  	v3, _, _ =	vpop (xrf2);
	_ =	sdelay $0x1  }
0x150: {  	s4 =	sand.u32 $0x7, s30;
	s30 =	smov.u32 s31  }
0x151: {  	s8 =	sshll.u32 s4, $0x1;
	v4, _, _ =	vpop (xrf2)  }
0x152: {  	s2 =	sadd.s32 $0x8, s2;
	v5 =	vmov s8;
	s8 =	sshllo.u32 s4, $0x1;
	v4 =	vbroadcast v4, $0xF  }
0x153: {  	vm0 =	veq.s32 v5, v0;
	v5 =	vmov s8;
	s8 =	sand.u32 $0xC0, s2;
	v3 =	vbroadcast v3, $0xF  }
0x154: {  	p1 =	seq.s32 s4, $0x7;
	s4 =	sshrl.u32 s8, $0x2;
	s8 =	simm.f32 $0.0e+00;
	v2 =	vsel vm0, v4, v2;
	vm0 =	veq.s32 v5, v0  }
0x155: {  	s8 =	simm.s32 @!p1 $0x3F800000;
	v2 =	vsel vm0, v3, v2  }
0x156: {  	s29 =	sadd.s32 $0x100, s29;
	[tilespmem:v1+s4+$0x0 ss:$0x1] =	vst.idx.msk $0xffff, v2;
	v2 =	vmul.f32 s8, v2  }
0x157: {  	s28 =	sadd.s32 $0x100, s28;
	v3 =	vld [tilespmem:s29+$0x70]  }
0x158: {  	v4 =	vld [tilespmem:s28+$0x70]  }
0x159: {  	v5 =	vld [tilespmem:s29+$0x60]  }
0x15a: {  	v6 =	vld [tilespmem:s28+$0x60]  }
0x15b: {  	v7 =	vld [tilespmem:s29+$0x50]  }
0x15c: {  	v8 =	vld [tilespmem:s28+$0x50]  }
0x15d: {  	v9 =	vld [tilespmem:s29+$0x40]  }
0x15e: {  	v10 =	vld [tilespmem:s28+$0x40]  }
0x15f: {  	v11 =	vld [tilespmem:s29+$0x30]  }
0x160: {  	v12 =	vld [tilespmem:s28+$0x30]  }
0x161: {  	v13 =	vld [tilespmem:s29+$0x20]  }
0x162: {  	v14 =	vld [tilespmem:s28+$0x20]  }
0x163: {  	v15 =	vld [tilespmem:s29+$0x0]  }
0x164: {  	v17 =	vld [tilespmem:s28+$0x0]  }
0x165: {  	v18 =	vld [tilespmem:s29+$0x10]  }
.Ltmp1:
0x166: {  	v20 =	vld [tilespmem:s28+$0x10];
	(pc) =	sbr.rel @p0 .LBB2_5-.Ltmp1, $4  }
0x167: {  	v16 =	vld [tilespmem:s28+$0xFFFFFF80]  }
0x168: {  	v19 =	vld [tilespmem:s29+$0xFFFFFF80]  }
0x169: {  	v21 =	vld [tilespmem:s29+$0xFFFFFF90]  }
0x16a: {  	s31 =	sadd.s32 $0x1, s31;
	v22 =	vld [tilespmem:s28+$0xFFFFFF90]  }
0x16b: {  	v23 =	vld [tilespmem:s29+$0xFFFFFFA0]  }
0x16c: {  	v24 =	vld [tilespmem:s28+$0xFFFFFFA0]  }
0x16d: {  	v25 =	vld [tilespmem:s29+$0xFFFFFFB0]  }
0x16e: {  	v15 =	vmul.f32 v17, v15;
	v17 =	vmul.f32 v20, v18;
	v18 =	vld [tilespmem:s28+$0xFFFFFFB0]  }
0x16f: {  	v20 =	vld [tilespmem:s29+$0xFFFFFFC0];
	v16 =	vmul.f32 v16, v19;
	v19 =	vmul.f32 v22, v21  }
0x170: {  	v13 =	vmul.f32 v14, v13;
	v14 =	vld [tilespmem:s28+$0xFFFFFFC0];
	v15 =	vadd.f32 v17, v15  }
0x171: {  	v11 =	vmul.f32 v12, v11;
	v12 =	vld [tilespmem:s28+$0xFFFFFFD0];
	v17 =	vmul.f32 v24, v23;
	v16 =	vadd.f32 v19, v16  }
0x172: {  	v13 =	vadd.f32 v13, v15;
	v19 =	vld [tilespmem:s29+$0xFFFFFFD0]  }
0x173: {  	v9 =	vmul.f32 v10, v9;
	v10 =	vld [tilespmem:s28+$0xFFFFFFE0];
	v15 =	vadd.f32 v17, v16;
	v16 =	vmul.f32 v18, v25  }
0x174: {  	v11 =	vadd.f32 v11, v13;
	v17 =	vld [tilespmem:s29+$0xFFFFFFE0]  }
0x175: {  	v7 =	vmul.f32 v8, v7;
	v8 =	vld [tilespmem:s28+$0xFFFFFFF0];
	v14 =	vmul.f32 v14, v20;
	v13 =	vadd.f32 v16, v15  }
0x176: {  	v9 =	vadd.f32 v9, v11;
	v15 =	vld [tilespmem:s29+$0xFFFFFFF0]  }
0x177: {  	v12 =	vmul.f32 v12, v19;
	v11 =	vadd.f32 v14, v13  }
0x178: {  	v5 =	vmul.f32 v6, v5;
	v7 =	vadd.f32 v7, v9  }
0x179: {  	v9 =	vmul.f32 v10, v17;
	v6 =	vadd.f32 v12, v11  }
0x17a: {  	v3 =	vmul.f32 v4, v3;
	v5 =	vadd.f32 v5, v7  }
0x17b: {  	v4 =	vadd.f32 v9, v6;
	v6 =	vmul.f32 v8, v15  }
0x17c: {  	v3 =	vadd.f32 v3, v5  }
0x17d: {  	v4 =	vadd.f32 v6, v4  }
0x17e: {  	(xrf2) =	vadd.scan.msk.f32 $0xffff, v3  }
0x17f: {  	(xrf2) =	vadd.scan.msk.f32 $0xffff, v4;
	_ =	sdelay $0x8  }
0x180: {  	s4 =	sand.u32 $0x7, s30;
	v3, _, _ =	vpop (xrf2)  }
0x181: {  	s8 =	sshll.u32 s4, $0x1;
	v4, _, _ =	vpop (xrf2)  }
0x182: {  	s4 =	sshllo.u32 s4, $0x1;
	v5 =	vmov s8;
	v4 =	vbroadcast v4, $0xF  }
0x183: {  	s2 =	sadd.s32 $0x8, s2;
	vm0 =	veq.s32 v5, v0;
	v5 =	vmov s4;
	v3 =	vbroadcast v3, $0xF  }
0x184: {  	s2 =	sand.u32 $0xC0, s2;
	vm13 =	veq.s32 v5, v0;
	v2 =	vsel vm0, v4, v2  }
0x185: {  	s2 =	sshrl.u32 s2, $0x2;
	v2 =	vsel vm13, v3, v2  }
0x186: {  	[tilespmem:v1+s2+$0x0 ss:$0x1] =	vst.idx.msk $0xffff, v2  }
0x187: {  	_ =	swait.ge [sflag:s23], $0x2000  }
0x188: {  	[sflag:s23] =	ssyncset.done $0x0  }
0x189: {  	[sflag:s23] =	ssyncadd.s32 $0xFFFFE000  }
0x18a: {  	s8 =	rddreg [dreg:$0x6]  }
0x18b: {  	s2 =	simm.s32 $0x0;
	s4 =	sadd.s32 s8, s3;
	s8 =	simm.s32 $0x8400  }
0x18c: {  	[hbm4b:s4+s2] =	stream.linear.scatter [tilespmem:s8], [sflag:$0xD], $0x2000, $0x38;
	[tilespmem:$0x10600] =	vst v63  }
0x18d: {  	_ =	swait.ge [sflag:s25], $0x2000  }
0x18e: {  	[sflag:s25] =	ssyncset.done $0x0  }
0x18f: {  	[sflag:s25] =	ssyncadd.s32 $0xFFFFE000  }
0x190: {  	s4 =	rddreg [dreg:$0x7]  }
0x191: {  	s28 =	simm.s32 $0xA400;
	s4 =	sadd.s32 s4, s3  }
0x192: {  	[hbm4b:s4+s2] =	stream.linear.scatter [tilespmem:s28], [sflag:$0xE], $0x2000, $0x38;
	[tilespmem:$0x10600] =	vst v63  }
0x193: {  	_ =	swait.ge [sflag:s24], $0x2000  }
0x194: {  	[sflag:s24] =	ssyncset.done $0x0  }
0x195: {  	[sflag:s24] =	ssyncadd.s32 $0xFFFFE000  }
0x196: {  	_ =	swait.ge [sflag:s5], $0x2000  }
0x197: {  	[sflag:s5] =	ssyncset.done $0x0  }
0x198: {  	[sflag:s5] =	ssyncadd.s32 $0xFFFFE000  }
0x199: {  	_ =	swait.ge [sflag:s6], $0x2000  }
0x19a: {  	[sflag:s6] =	ssyncset.done $0x0  }
0x19b: {  	[sflag:s6] =	ssyncadd.s32 $0xFFFFE000  }
0x19c: {  	_ =	swait.ge [sflag:s7], $0x2000  }
0x19d: {  	[sflag:s7] =	ssyncset.done $0x0  }
0x19e: {  	s3 =	sor.u32 $0x40, s1;
	[sflag:s7] =	ssyncadd.s32 $0xFFFFE000  }
0x19f: {  	[tilespmem:s8], [sflag:$0x5] =	stream.indirect.gather [hbm4b:s12+s26], $0x80, s3, s26, $0xb8;
	[tilespmem:$0x10600] =	vst v63  }
0x1a0: {  	s31 =	smov.u32 s12;
	s4 =	sadd.s32 $0x240, s1;
	s12 =	rddreg [dreg:$0x3]  }
0x1a1: {  	[tilespmem:s28], [sflag:$0x6] =	stream.indirect.gather [hbm4b:s12+s26], $0x80, s4, s26, $0xb8;
	[tilespmem:$0x10600] =	vst v63  }
0x1a2: {  	s8 =	rddreg [dreg:$0x4];
	s12 =	simm.s32 $0xC400  }
0x1a3: {  	[tilespmem:s12], [sflag:$0x7] =	stream.indirect.gather [hbm4b:s8+s26], $0x80, s3, s26, $0xb8;
	[tilespmem:$0x10600] =	vst v63  }
0x1a4: {  	s8 =	rddreg [dreg:$0x5];
	s12 =	simm.s32 $0xE400  }
0x1a5: {  	[tilespmem:s12], [sflag:$0x8] =	stream.indirect.gather [hbm4b:s8+s26], $0x80, s4, s26, $0xb8;
	[tilespmem:$0x10600] =	vst v63  }
0x1a6: {  	_ =	swait.ge [sflag:s14], $0x2000  }
0x1a7: {  	[sflag:s14] =	ssyncset.done $0x0  }
0x1a8: {  	s4 =	sor.u32 s11, s1;
	[sflag:s14] =	ssyncadd.s32 $0xFFFFE000  }
0x1a9: {  	s3 =	sshll.u32 s4, $0x4;
	s8 =	rddreg [dreg:$0x8]  }
0x1aa: {  	s4 =	sadd.s32 s8, s3  }
0x1ab: {  	[hbm4b:s4+s2] =	stream.linear.scatter [tilespmem:s13], [sflag:$0xB], $0x2000, $0x38;
	[tilespmem:$0x10600] =	vst v63  }
0x1ac: {  	_ =	swait.ge [sflag:s15], $0x2000  }
0x1ad: {  	[sflag:s15] =	ssyncset.done $0x0  }
0x1ae: {  	[sflag:s15] =	ssyncadd.s32 $0xFFFFE000  }
0x1af: {  	s12 =	rddreg [dreg:$0x9]  }
0x1b0: {  	s8 =	simm.s32 $0x4480;
	s4 =	sadd.s32 s12, s3  }
0x1b1: {  	[hbm4b:s4+s2] =	stream.linear.scatter [tilespmem:s10], [sflag:$0xC], $0x2000, $0x38;
	[tilespmem:$0x10600] =	vst v63  }
0x1b2: {  	s12 =	simm.s32 $0x6480;
	v1 =	vld [tilespmem:s8+$0x70]  }
0x1b3: {  	v2 =	vld [tilespmem:s12+$0x70]  }
0x1b4: {  	v3 =	vld [tilespmem:s8+$0x60]  }
0x1b5: {  	v4 =	vld [tilespmem:s12+$0x60]  }
0x1b6: {  	v5 =	vld [tilespmem:s8+$0x50]  }
0x1b7: {  	v6 =	vld [tilespmem:s12+$0x50]  }
0x1b8: {  	v7 =	vld [tilespmem:s8+$0x40]  }
0x1b9: {  	v8 =	vld [tilespmem:s12+$0x40]  }
0x1ba: {  	v9 =	vld [tilespmem:s8+$0x30]  }
0x1bb: {  	v10 =	vld [tilespmem:s12+$0x30]  }
0x1bc: {  	v11 =	vld [tilespmem:s8+$0x20]  }
0x1bd: {  	v12 =	vld [tilespmem:s12+$0x20]  }
0x1be: {  	v13 =	vld [tilespmem:s8+$0x0]  }
0x1bf: {  	v14 =	vld [tilespmem:s12+$0x0]  }
0x1c0: {  	v15 =	vld [tilespmem:s8+$0x10]  }
0x1c1: {  	v16 =	vld [tilespmem:s12+$0x10]  }
0x1c2: {  	v17 =	vld [tilespmem:s12+$0xFFFFFF80]  }
0x1c3: {  	v18 =	vld [tilespmem:s8+$0xFFFFFF80]  }
0x1c4: {  	v19 =	vld [tilespmem:s8+$0xFFFFFF90]  }
0x1c5: {  	v20 =	vld [tilespmem:s12+$0xFFFFFF90]  }
0x1c6: {  	v21 =	vld [tilespmem:s8+$0xFFFFFFA0]  }
0x1c7: {  	v22 =	vld [tilespmem:s12+$0xFFFFFFA0]  }
0x1c8: {  	v23 =	vld [tilespmem:s8+$0xFFFFFFB0]  }
0x1c9: {  	v13 =	vmul.f32 v14, v13;
	v14 =	vmul.f32 v16, v15;
	v15 =	vld [tilespmem:s12+$0xFFFFFFB0]  }
0x1ca: {  	v16 =	vmul.f32 v17, v18;
	v17 =	vmul.f32 v20, v19;
	v18 =	vld [tilespmem:s8+$0xFFFFFFC0]  }
0x1cb: {  	v11 =	vmul.f32 v12, v11;
	v12 =	vld [tilespmem:s12+$0xFFFFFFC0];
	v13 =	vadd.f32 v14, v13  }
0x1cc: {  	v9 =	vmul.f32 v10, v9;
	v10 =	vld [tilespmem:s12+$0xFFFFFFD0];
	v14 =	vadd.f32 v17, v16;
	v16 =	vmul.f32 v22, v21  }
0x1cd: {  	v17 =	vld [tilespmem:s8+$0xFFFFFFD0];
	v11 =	vadd.f32 v11, v13  }
0x1ce: {  	v7 =	vmul.f32 v8, v7;
	v8 =	vld [tilespmem:s12+$0xFFFFFFE0];
	v13 =	vadd.f32 v16, v14;
	v14 =	vmul.f32 v15, v23  }
0x1cf: {  	v15 =	vld [tilespmem:s8+$0xFFFFFFE0];
	v9 =	vadd.f32 v9, v11  }
0x1d0: {  	v5 =	vmul.f32 v6, v5;
	v6 =	vld [tilespmem:s12+$0xFFFFFFF0];
	v12 =	vmul.f32 v12, v18;
	v11 =	vadd.f32 v14, v13  }
0x1d1: {  	v13 =	vld [tilespmem:s8+$0xFFFFFFF0];
	v7 =	vadd.f32 v7, v9  }
0x1d2: {  	v10 =	vmul.f32 v10, v17;
	v9 =	vadd.f32 v12, v11  }
0x1d3: {  	v3 =	vmul.f32 v4, v3;
	v5 =	vadd.f32 v5, v7  }
0x1d4: {  	v7 =	vmul.f32 v8, v15;
	v4 =	vadd.f32 v10, v9  }
0x1d5: {  	v1 =	vmul.f32 v2, v1;
	v3 =	vadd.f32 v3, v5  }
0x1d6: {  	v2 =	vadd.f32 v7, v4;
	v4 =	vmul.f32 v6, v13  }
0x1d7: {  	v1 =	vadd.f32 v1, v3  }
0x1d8: {  	v2 =	vadd.f32 v4, v2  }
0x1d9: {  	(xrf2) =	vadd.scan.msk.f32 $0xffff, v1  }
0x1da: {  	(xrf2) =	vadd.scan.msk.f32 $0xffff, v2;
	_ =	sdelay $0x7  }
0x1db: {  	s4 =	sand.u32 $0x7, s2  }
0x1dc: {  	s12 =	sshll.u32 s4, $0x1;
	s8 =	sadd.s32 $0x10400, s1;
	v2, _, _ =	vpop (xrf2)  }
0x1dd: {  	v5 =	vmov s12;
	v1 =	vmov s8;
	v3, _, _ =	vpop (xrf2)  }
0x1de: {  	vm14 =	veq.s32 v5, v0;
	s8 =	sshllo.u32 s4, $0x1;
	v3 =	vbroadcast v3, $0xF  }
0x1df: {  	v4 =	vimm.f32 $0.0e+00;
	v5 =	vmov s8;
	v2 =	vbroadcast v2, $0xF  }
0x1e0: {  	s12 =	sand.u32 $0xC0, s2;
	vm15 =	veq.s32 v5, v0;
	v3 =	vsel vm14, v3, v4  }
0x1e1: {  	s1 =	sshrl.u32 s12, $0x2;
	v2 =	vsel vm15, v2, v3  }
0x1e2: {  	s28 =	simm.s32 $0x4580;
	[tilespmem:v1+s1+$0x0 ss:$0x1] =	vst.idx.msk $0xffff, v2  }
0x1e3: {  	s1 =	simm.s32 $0x6580;
	v3 =	vld [tilespmem:s28+$0x70]  }
0x1e4: {  	v4 =	vld [tilespmem:s1+$0x70]  }
0x1e5: {  	v5 =	vld [tilespmem:s28+$0x60]  }
0x1e6: {  	v6 =	vld [tilespmem:s1+$0x60]  }
0x1e7: {  	v7 =	vld [tilespmem:s28+$0x50]  }
0x1e8: {  	v8 =	vld [tilespmem:s1+$0x50]  }
0x1e9: {  	v9 =	vld [tilespmem:s28+$0x40]  }
0x1ea: {  	v10 =	vld [tilespmem:s1+$0x40]  }
0x1eb: {  	v11 =	vld [tilespmem:s28+$0x30]  }
0x1ec: {  	v12 =	vld [tilespmem:s1+$0x30]  }
0x1ed: {  	v13 =	vld [tilespmem:s28+$0x20]  }
0x1ee: {  	v14 =	vld [tilespmem:s1+$0x20]  }
0x1ef: {  	v15 =	vld [tilespmem:s28+$0x0]  }
0x1f0: {  	v17 =	vld [tilespmem:s1+$0x0]  }
0x1f1: {  	v18 =	vld [tilespmem:s28+$0x10]  }
0x1f2: {  	v20 =	vld [tilespmem:s1+$0x10]  }
0x1f3: {  	v16 =	vld [tilespmem:s1+$0xFFFFFF80]  }
0x1f4: {  	p0 =	seq.s32 s4, $0x7;
	s4 =	simm.f32 $0.0e+00;
	v19 =	vld [tilespmem:s28+$0xFFFFFF80]  }
0x1f5: {  	s4 =	simm.s32 @!p0 $0x3F800000;
	v21 =	vld [tilespmem:s28+$0xFFFFFF90]  }
0x1f6: {  	s30 =	simm.s32 $0x2;
	s29 =	simm.s32 $0x1;
	v2 =	vmul.f32 s4, v2;
	v22 =	vld [tilespmem:s1+$0xFFFFFF90]  }
.LBB2_7:
0x1f7: {  	p0 =	sne.s32 s30, $0x1F;
	v23 =	vld [tilespmem:s28+$0xFFFFFFA0]  }
0x1f8: {  	v15 =	vmul.f32 v17, v15;
	v17 =	vmul.f32 v20, v18;
	v24 =	vld [tilespmem:s1+$0xFFFFFFA0]  }
0x1f9: {  	v18 =	vld [tilespmem:s28+$0xFFFFFFB0]  }
0x1fa: {  	v13 =	vmul.f32 v14, v13;
	v15 =	vadd.f32 v17, v15;
	v20 =	vld [tilespmem:s1+$0xFFFFFFB0]  }
0x1fb: {  	v14 =	vmul.f32 v16, v19;
	v16 =	vmul.f32 v22, v21;
	v17 =	vld [tilespmem:s28+$0xFFFFFFC0]  }
0x1fc: {  	v11 =	vmul.f32 v12, v11;
	v13 =	vadd.f32 v13, v15;
	v19 =	vld [tilespmem:s1+$0xFFFFFFC0]  }
0x1fd: {  	v12 =	vadd.f32 v16, v14;
	v14 =	vmul.f32 v24, v23;
	v15 =	vld [tilespmem:s28+$0xFFFFFFD0]  }
0x1fe: {  	v9 =	vmul.f32 v10, v9;
	v11 =	vadd.f32 v11, v13;
	v16 =	vld [tilespmem:s1+$0xFFFFFFD0]  }
0x1ff: {  	v10 =	vadd.f32 v14, v12;
	v12 =	vmul.f32 v20, v18;
	v13 =	vld [tilespmem:s28+$0xFFFFFFE0]  }
0x200: {  	v7 =	vmul.f32 v8, v7;
	v9 =	vadd.f32 v9, v11;
	v14 =	vld [tilespmem:s1+$0xFFFFFFE0]  }
0x201: {  	v8 =	vadd.f32 v12, v10;
	v10 =	vmul.f32 v19, v17;
	v11 =	vld [tilespmem:s28+$0xFFFFFFF0]  }
0x202: {  	v5 =	vmul.f32 v6, v5;
	v7 =	vadd.f32 v7, v9;
	v12 =	vld [tilespmem:s1+$0xFFFFFFF0]  }
0x203: {  	v6 =	vadd.f32 v10, v8;
	v8 =	vmul.f32 v16, v15  }
0x204: {  	v3 =	vmul.f32 v4, v3;
	v5 =	vadd.f32 v5, v7  }
0x205: {  	v4 =	vadd.f32 v8, v6;
	v6 =	vmul.f32 v14, v13  }
0x206: {  	v3 =	vadd.f32 v3, v5  }
0x207: {  	v4 =	vadd.f32 v6, v4;
	v5 =	vmul.f32 v12, v11  }
0x208: {  	(xrf2) =	vadd.scan.msk.f32 $0xffff, v3  }
0x209: {  	v3 =	vadd.f32 v5, v4;
	_ =	sdelay $0x1  }
0x20a: {  	(xrf2) =	vadd.scan.msk.f32 $0xffff, v3;
	_ =	sdelay $0x6  }
0x20b: {  	v3, _, _ =	vpop (xrf2);
	_ =	sdelay $0x1  }
0x20c: {  	s4 =	sand.u32 $0x7, s29;
	s29 =	smov.u32 s30  }
0x20d: {  	s8 =	sshll.u32 s4, $0x1;
	v4, _, _ =	vpop (xrf2)  }
0x20e: {  	s2 =	sadd.s32 $0x8, s2;
	v5 =	vmov s8;
	s8 =	sshllo.u32 s4, $0x1;
	v4 =	vbroadcast v4, $0xF  }
0x20f: {  	vm0 =	veq.s32 v5, v0;
	v5 =	vmov s8;
	s8 =	sand.u32 $0xC0, s2;
	v3 =	vbroadcast v3, $0xF  }
0x210: {  	p1 =	seq.s32 s4, $0x7;
	s4 =	sshrl.u32 s8, $0x2;
	s8 =	simm.f32 $0.0e+00;
	v2 =	vsel vm0, v4, v2;
	vm0 =	veq.s32 v5, v0  }
0x211: {  	s8 =	simm.s32 @!p1 $0x3F800000;
	v2 =	vsel vm0, v3, v2  }
0x212: {  	s28 =	sadd.s32 $0x100, s28;
	[tilespmem:v1+s4+$0x0 ss:$0x1] =	vst.idx.msk $0xffff, v2;
	v2 =	vmul.f32 s8, v2  }
0x213: {  	s1 =	sadd.s32 $0x100, s1;
	v3 =	vld [tilespmem:s28+$0x70]  }
0x214: {  	v4 =	vld [tilespmem:s1+$0x70]  }
0x215: {  	v5 =	vld [tilespmem:s28+$0x60]  }
0x216: {  	v6 =	vld [tilespmem:s1+$0x60]  }
0x217: {  	v7 =	vld [tilespmem:s28+$0x50]  }
0x218: {  	v8 =	vld [tilespmem:s1+$0x50]  }
0x219: {  	v9 =	vld [tilespmem:s28+$0x40]  }
0x21a: {  	v10 =	vld [tilespmem:s1+$0x40]  }
0x21b: {  	v11 =	vld [tilespmem:s28+$0x30]  }
0x21c: {  	v12 =	vld [tilespmem:s1+$0x30]  }
0x21d: {  	v13 =	vld [tilespmem:s28+$0x20]  }
0x21e: {  	v14 =	vld [tilespmem:s1+$0x20]  }
0x21f: {  	v15 =	vld [tilespmem:s28+$0x0]  }
0x220: {  	v17 =	vld [tilespmem:s1+$0x0]  }
0x221: {  	v18 =	vld [tilespmem:s28+$0x10]  }
.Ltmp2:
0x222: {  	v20 =	vld [tilespmem:s1+$0x10];
	(pc) =	sbr.rel @p0 .LBB2_7-.Ltmp2, $4  }
0x223: {  	v16 =	vld [tilespmem:s1+$0xFFFFFF80]  }
0x224: {  	v19 =	vld [tilespmem:s28+$0xFFFFFF80]  }
0x225: {  	v21 =	vld [tilespmem:s28+$0xFFFFFF90]  }
0x226: {  	s30 =	sadd.s32 $0x1, s30;
	v22 =	vld [tilespmem:s1+$0xFFFFFF90]  }
0x227: {  	v23 =	vld [tilespmem:s28+$0xFFFFFFA0]  }
0x228: {  	v24 =	vld [tilespmem:s1+$0xFFFFFFA0]  }
0x229: {  	v25 =	vld [tilespmem:s28+$0xFFFFFFB0]  }
0x22a: {  	v15 =	vmul.f32 v17, v15;
	v42 =	vmul.f32 v20, v18;
	v43 =	vld [tilespmem:s1+$0xFFFFFFB0]  }
0x22b: {  	v45 =	vld [tilespmem:s28+$0xFFFFFFC0];
	v16 =	vmul.f32 v16, v19;
	v44 =	vmul.f32 v22, v21  }
0x22c: {  	v13 =	vmul.f32 v14, v13;
	v46 =	vld [tilespmem:s1+$0xFFFFFFC0];
	v15 =	vadd.f32 v42, v15  }
0x22d: {  	v48 =	vld [tilespmem:s28+$0xFFFFFFD0];
	v47 =	vmul.f32 v24, v23;
	v16 =	vadd.f32 v44, v16  }
0x22e: {  	v11 =	vmul.f32 v12, v11;
	v49 =	vld [tilespmem:s1+$0xFFFFFFD0];
	v13 =	vadd.f32 v13, v15  }
0x22f: {  	v52 =	vld [tilespmem:s28+$0xFFFFFFE0];
	v51 =	vmul.f32 v43, v25;
	v50 =	vadd.f32 v47, v16  }
0x230: {  	v9 =	vmul.f32 v10, v9;
	v53 =	vld [tilespmem:s1+$0xFFFFFFE0];
	v11 =	vadd.f32 v11, v13  }
0x231: {  	v55 =	vld [tilespmem:s28+$0xFFFFFFF0];
	v14 =	vmul.f32 v46, v45;
	v54 =	vadd.f32 v51, v50  }
0x232: {  	v7 =	vmul.f32 v8, v7;
	v56 =	vld [tilespmem:s1+$0xFFFFFFF0];
	v9 =	vadd.f32 v9, v11  }
0x233: {  	v12 =	vmul.f32 v49, v48;
	v57 =	vadd.f32 v14, v54  }
0x234: {  	v5 =	vmul.f32 v6, v5;
	v7 =	vadd.f32 v7, v9  }
0x235: {  	v59 =	vmul.f32 v53, v52;
	v58 =	vadd.f32 v12, v57  }
0x236: {  	v3 =	vmul.f32 v4, v3;
	v5 =	vadd.f32 v5, v7  }
0x237: {  	v61 =	vmul.f32 v56, v55;
	v60 =	vadd.f32 v59, v58  }
0x238: {  	v3 =	vadd.f32 v3, v5  }
0x239: {  	v4 =	vadd.f32 v61, v60  }
0x23a: {  	(xrf2) =	vadd.scan.msk.f32 $0xffff, v3  }
0x23b: {  	(xrf2) =	vadd.scan.msk.f32 $0xffff, v4;
	_ =	sdelay $0x8  }
0x23c: {  	s12 =	sand.u32 $0x7, s29;
	v3, _, _ =	vpop (xrf2)  }
0x23d: {  	s4 =	sshll.u32 s12, $0x1;
	v4, _, _ =	vpop (xrf2)  }
0x23e: {  	s1 =	sshllo.u32 s12, $0x1;
	v62 =	vmov s4;
	v4 =	vbroadcast v4, $0xF  }
0x23f: {  	s28 =	sadd.s32 $0x8, s2;
	v63 =	vmov s1;
	vm0 =	veq.s32 v62, v0;
	v3 =	vbroadcast v3, $0xF  }
0x240: {  	s1 =	sand.u32 $0xC0, s28;
	vm15 =	veq.s32 v63, v0;
	v2 =	vsel vm0, v4, v2  }
0x241: {  	s1 =	sshrl.u32 s1, $0x2;
	v2 =	vsel vm15, v3, v2  }
0x242: {  	[tilespmem:v1+s1+$0x0 ss:$0x1] =	vst.idx.msk $0xffff, v2  }
0x243: {  	_ =	swait.ge [sflag:s9], $0x2000  }
0x244: {  	[sflag:s9] =	ssyncset.done $0x0  }
0x245: {  	[sflag:s9] =	ssyncadd.s32 $0xFFFFE000  }
0x246: {  	s0 =	sadd.s32 $0x1, s0;
	s29 =	rddreg [dreg:$0x6]  }
0x247: {  	s12 =	simm.s32 $0x0;
	s4 =	simm.s32 $0x400;
	s1 =	sadd.s32 s29, s3  }
0x248: {  	[hbm4b:s1+s12] =	stream.linear.scatter [tilespmem:s4], [sflag:$0x9], $0x2000, $0x38;
	[tilespmem:$0x10600] =	vst v63  }
0x249: {  	p0 =	sne.s32 s0, $0x4;
	_ =	swait.ge [sflag:s16], $0x2000  }
.Ltmp3:
0x24a: {  	[sflag:s16] =	ssyncset.done $0x0;
	(pc) =	sbr.rel @p0 .LBB2_4-.Ltmp3, $4  }
0x24b: {  	[sflag:s16] =	ssyncadd.s32 $0xFFFFE000  }
0x24c: {  	s30 =	rddreg [dreg:$0x7]  }
0x24d: {  	s8 =	simm.s32 $0x2400;
	s1 =	sadd.s32 s30, s3  }
0x24e: {  	[hbm4b:s1+s12] =	stream.linear.scatter [tilespmem:s8], [sflag:$0xA], $0x2000, $0x38;
	[tilespmem:$0x10600] =	vst v63  }
0x24f: {  	_ =	swait.ge [sflag:s21], $0x2000  }
0x250: {  	s0 =	simm.s32 $0x0;
	[sflag:s21] =	ssyncset.done $0x0  }
0x251: {  	s2 =	simm.s32 $0xC400;
	s1 =	rddreg [dreg:$0x12];
	[sflag:s21] =	ssyncadd.s32 $0xFFFFE000  }
0x252: {  	[hbm4b:s1+s0] =	stream.linear.scatter [tilespmem:s2], [sflag:$0xF], $0x2000, $0x38;
	[tilespmem:$0x10600] =	vst v63  }
0x253: {  	_ =	swait.ge [sflag:s22], $0x2000  }
0x254: {  	s3 =	simm.s32 $0xE400;
	[sflag:s22] =	ssyncset.done $0x0  }
0x255: {  	s4 =	simm.s32 $0xC480;
	s2 =	rddreg [dreg:$0x13];
	[sflag:s22] =	ssyncadd.s32 $0xFFFFE000  }
0x256: {  	[hbm4b:s2+s0] =	stream.linear.scatter [tilespmem:s3], [sflag:$0x10], $0x2000, $0x38;
	[tilespmem:$0x10600] =	vst v63  }
0x257: {  	s8 =	simm.s32 $0xE480;
	v1 =	vld [tilespmem:s4+$0x70]  }
0x258: {  	v2 =	vld [tilespmem:s8+$0x70]  }
0x259: {  	v3 =	vld [tilespmem:s4+$0x60]  }
0x25a: {  	v4 =	vld [tilespmem:s8+$0x60]  }
0x25b: {  	v5 =	vld [tilespmem:s4+$0x50]  }
0x25c: {  	v6 =	vld [tilespmem:s8+$0x50]  }
0x25d: {  	v7 =	vld [tilespmem:s4+$0x40]  }
0x25e: {  	v8 =	vld [tilespmem:s8+$0x40]  }
0x25f: {  	v9 =	vld [tilespmem:s4+$0x30]  }
0x260: {  	v10 =	vld [tilespmem:s8+$0x30]  }
0x261: {  	v11 =	vld [tilespmem:s4+$0x20]  }
0x262: {  	v12 =	vld [tilespmem:s8+$0x20]  }
0x263: {  	v13 =	vld [tilespmem:s4+$0x0]  }
0x264: {  	v14 =	vld [tilespmem:s8+$0x0]  }
0x265: {  	v15 =	vld [tilespmem:s4+$0x10]  }
0x266: {  	v16 =	vld [tilespmem:s8+$0x10]  }
0x267: {  	v17 =	vld [tilespmem:s8+$0xFFFFFF80]  }
0x268: {  	v18 =	vld [tilespmem:s4+$0xFFFFFF80]  }
0x269: {  	v19 =	vld [tilespmem:s4+$0xFFFFFF90]  }
0x26a: {  	v20 =	vld [tilespmem:s8+$0xFFFFFF90]  }
0x26b: {  	v21 =	vld [tilespmem:s4+$0xFFFFFFA0]  }
0x26c: {  	v22 =	vld [tilespmem:s8+$0xFFFFFFA0]  }
0x26d: {  	v23 =	vld [tilespmem:s4+$0xFFFFFFB0]  }
0x26e: {  	v13 =	vmul.f32 v14, v13;
	v14 =	vmul.f32 v16, v15;
	v15 =	vld [tilespmem:s8+$0xFFFFFFB0]  }
0x26f: {  	v16 =	vmul.f32 v17, v18;
	v17 =	vmul.f32 v20, v19;
	v18 =	vld [tilespmem:s4+$0xFFFFFFC0]  }
0x270: {  	v11 =	vmul.f32 v12, v11;
	v12 =	vld [tilespmem:s8+$0xFFFFFFC0];
	v13 =	vadd.f32 v14, v13  }
0x271: {  	v9 =	vmul.f32 v10, v9;
	v10 =	vld [tilespmem:s8+$0xFFFFFFD0];
	v14 =	vadd.f32 v17, v16;
	v16 =	vmul.f32 v22, v21  }
0x272: {  	v17 =	vld [tilespmem:s4+$0xFFFFFFD0];
	v11 =	vadd.f32 v11, v13  }
0x273: {  	v7 =	vmul.f32 v8, v7;
	v8 =	vld [tilespmem:s8+$0xFFFFFFE0];
	v13 =	vadd.f32 v16, v14;
	v14 =	vmul.f32 v15, v23  }
0x274: {  	v15 =	vld [tilespmem:s4+$0xFFFFFFE0];
	v9 =	vadd.f32 v9, v11  }
0x275: {  	v5 =	vmul.f32 v6, v5;
	v6 =	vld [tilespmem:s8+$0xFFFFFFF0];
	v12 =	vmul.f32 v12, v18;
	v11 =	vadd.f32 v14, v13  }
0x276: {  	v13 =	vld [tilespmem:s4+$0xFFFFFFF0];
	v7 =	vadd.f32 v7, v9  }
0x277: {  	v10 =	vmul.f32 v10, v17;
	v9 =	vadd.f32 v12, v11  }
0x278: {  	v3 =	vmul.f32 v4, v3;
	v5 =	vadd.f32 v5, v7  }
0x279: {  	v7 =	vmul.f32 v8, v15;
	v4 =	vadd.f32 v10, v9  }
0x27a: {  	v1 =	vmul.f32 v2, v1;
	v3 =	vadd.f32 v3, v5  }
0x27b: {  	v2 =	vadd.f32 v7, v4;
	v4 =	vmul.f32 v6, v13  }
0x27c: {  	v1 =	vadd.f32 v1, v3  }
0x27d: {  	v2 =	vadd.f32 v4, v2  }
0x27e: {  	(xrf2) =	vadd.scan.msk.f32 $0xffff, v1  }
0x27f: {  	(xrf2) =	vadd.scan.msk.f32 $0xffff, v2;
	_ =	sdelay $0x8  }
0x280: {  	s3 =	sand.u32 $0x7, s0;
	v1, _, _ =	vpop (xrf2)  }
0x281: {  	s10 =	sshll.u32 s3, $0x1;
	v2, _, _ =	vpop (xrf2)  }
0x282: {  	s13 =	sshllo.u32 s3, $0x1;
	v3 =	vimm.f32 $0.0e+00;
	v4 =	vmov s10;
	v2 =	vbroadcast v2, $0xF  }
0x283: {  	vm0 =	veq.s32 v4, v0;
	v4 =	vmov s13;
	v1 =	vbroadcast v1, $0xF  }
0x284: {  	s30 =	sand.u32 $0xC0, s0;
	vm15 =	veq.s32 v4, v0;
	v2 =	vsel vm0, v2, v3  }
0x285: {  	s1 =	sshrl.u32 s30, $0x2;
	v1 =	vsel vm15, v1, v2  }
0x286: {  	s2 =	simm.s32 $0xC580;
	[tilespmem:s1+$0x105C0] =	vst v1  }
0x287: {  	s1 =	simm.s32 $0xE580;
	v2 =	vld [tilespmem:s2+$0x70]  }
0x288: {  	v3 =	vld [tilespmem:s1+$0x70]  }
0x289: {  	v4 =	vld [tilespmem:s2+$0x60]  }
0x28a: {  	v5 =	vld [tilespmem:s1+$0x60]  }
0x28b: {  	v6 =	vld [tilespmem:s2+$0x50]  }
0x28c: {  	v7 =	vld [tilespmem:s1+$0x50]  }
0x28d: {  	v8 =	vld [tilespmem:s2+$0x40]  }
0x28e: {  	v9 =	vld [tilespmem:s1+$0x40]  }
0x28f: {  	v10 =	vld [tilespmem:s2+$0x30]  }
0x290: {  	v11 =	vld [tilespmem:s1+$0x30]  }
0x291: {  	v12 =	vld [tilespmem:s2+$0x20]  }
0x292: {  	v13 =	vld [tilespmem:s1+$0x20]  }
0x293: {  	v14 =	vld [tilespmem:s2+$0x0]  }
0x294: {  	v16 =	vld [tilespmem:s1+$0x0]  }
0x295: {  	v17 =	vld [tilespmem:s2+$0x10]  }
0x296: {  	v19 =	vld [tilespmem:s1+$0x10]  }
0x297: {  	v15 =	vld [tilespmem:s1+$0xFFFFFF80]  }
0x298: {  	p0 =	seq.s32 s3, $0x7;
	s4 =	simm.f32 $0.0e+00;
	v18 =	vld [tilespmem:s2+$0xFFFFFF80]  }
0x299: {  	s4 =	simm.s32 @!p0 $0x3F800000;
	v20 =	vld [tilespmem:s2+$0xFFFFFF90]  }
0x29a: {  	s28 =	simm.s32 $0x2;
	s29 =	simm.s32 $0xA400;
	s3 =	simm.s32 $0x1;
	v1 =	vmul.f32 s4, v1;
	v21 =	vld [tilespmem:s1+$0xFFFFFF90]  }
.LBB2_10:
0x29b: {  	p0 =	sne.s32 s28, $0x1F;
	v22 =	vld [tilespmem:s2+$0xFFFFFFA0]  }
0x29c: {  	v14 =	vmul.f32 v16, v14;
	v16 =	vmul.f32 v19, v17;
	v23 =	vld [tilespmem:s1+$0xFFFFFFA0]  }
0x29d: {  	v17 =	vld [tilespmem:s2+$0xFFFFFFB0]  }
0x29e: {  	v12 =	vmul.f32 v13, v12;
	v14 =	vadd.f32 v16, v14;
	v19 =	vld [tilespmem:s1+$0xFFFFFFB0]  }
0x29f: {  	v13 =	vmul.f32 v15, v18;
	v15 =	vmul.f32 v21, v20;
	v16 =	vld [tilespmem:s2+$0xFFFFFFC0]  }
0x2a0: {  	v10 =	vmul.f32 v11, v10;
	v12 =	vadd.f32 v12, v14;
	v18 =	vld [tilespmem:s1+$0xFFFFFFC0]  }
0x2a1: {  	v11 =	vadd.f32 v15, v13;
	v13 =	vmul.f32 v23, v22;
	v14 =	vld [tilespmem:s2+$0xFFFFFFD0]  }
0x2a2: {  	v8 =	vmul.f32 v9, v8;
	v10 =	vadd.f32 v10, v12;
	v15 =	vld [tilespmem:s1+$0xFFFFFFD0]  }
0x2a3: {  	v9 =	vadd.f32 v13, v11;
	v11 =	vmul.f32 v19, v17;
	v12 =	vld [tilespmem:s2+$0xFFFFFFE0]  }
0x2a4: {  	v6 =	vmul.f32 v7, v6;
	v8 =	vadd.f32 v8, v10;
	v13 =	vld [tilespmem:s1+$0xFFFFFFE0]  }
0x2a5: {  	v7 =	vadd.f32 v11, v9;
	v9 =	vmul.f32 v18, v16;
	v10 =	vld [tilespmem:s2+$0xFFFFFFF0]  }
0x2a6: {  	v4 =	vmul.f32 v5, v4;
	v6 =	vadd.f32 v6, v8;
	v11 =	vld [tilespmem:s1+$0xFFFFFFF0]  }
0x2a7: {  	v5 =	vadd.f32 v9, v7;
	v7 =	vmul.f32 v15, v14  }
0x2a8: {  	v2 =	vmul.f32 v3, v2;
	v4 =	vadd.f32 v4, v6  }
0x2a9: {  	v3 =	vadd.f32 v7, v5;
	v5 =	vmul.f32 v13, v12  }
0x2aa: {  	v2 =	vadd.f32 v2, v4  }
0x2ab: {  	v3 =	vadd.f32 v5, v3;
	v4 =	vmul.f32 v11, v10  }
0x2ac: {  	(xrf2) =	vadd.scan.msk.f32 $0xffff, v2  }
0x2ad: {  	v2 =	vadd.f32 v4, v3;
	_ =	sdelay $0x1  }
0x2ae: {  	(xrf2) =	vadd.scan.msk.f32 $0xffff, v2;
	_ =	sdelay $0x6  }
0x2af: {  	v2, _, _ =	vpop (xrf2);
	_ =	sdelay $0x1  }
0x2b0: {  	s4 =	sand.u32 $0x7, s3;
	s3 =	smov.u32 s28  }
0x2b1: {  	s8 =	sshll.u32 s4, $0x1;
	v3, _, _ =	vpop (xrf2)  }
0x2b2: {  	s0 =	sadd.s32 $0x8, s0;
	v4 =	vmov s8;
	s8 =	sshllo.u32 s4, $0x1;
	v3 =	vbroadcast v3, $0xF  }
0x2b3: {  	vm0 =	veq.s32 v4, v0;
	v4 =	vmov s8;
	s8 =	sand.u32 $0xC0, s0;
	v2 =	vbroadcast v2, $0xF  }
0x2b4: {  	p1 =	seq.s32 s4, $0x7;
	s4 =	sshrl.u32 s8, $0x2;
	s8 =	simm.f32 $0.0e+00;
	v1 =	vsel vm0, v3, v1;
	vm0 =	veq.s32 v4, v0  }
0x2b5: {  	s8 =	simm.s32 @!p1 $0x3F800000;
	v1 =	vsel vm0, v2, v1  }
0x2b6: {  	s2 =	sadd.s32 $0x100, s2;
	[tilespmem:s4+$0x105C0] =	vst v1;
	v1 =	vmul.f32 s8, v1  }
0x2b7: {  	s1 =	sadd.s32 $0x100, s1;
	v2 =	vld [tilespmem:s2+$0x70]  }
0x2b8: {  	v3 =	vld [tilespmem:s1+$0x70]  }
0x2b9: {  	v4 =	vld [tilespmem:s2+$0x60]  }
0x2ba: {  	v5 =	vld [tilespmem:s1+$0x60]  }
0x2bb: {  	v6 =	vld [tilespmem:s2+$0x50]  }
0x2bc: {  	v7 =	vld [tilespmem:s1+$0x50]  }
0x2bd: {  	v8 =	vld [tilespmem:s2+$0x40]  }
0x2be: {  	v9 =	vld [tilespmem:s1+$0x40]  }
0x2bf: {  	v10 =	vld [tilespmem:s2+$0x30]  }
0x2c0: {  	v11 =	vld [tilespmem:s1+$0x30]  }
0x2c1: {  	v12 =	vld [tilespmem:s2+$0x20]  }
0x2c2: {  	v13 =	vld [tilespmem:s1+$0x20]  }
0x2c3: {  	v14 =	vld [tilespmem:s2+$0x0]  }
0x2c4: {  	v16 =	vld [tilespmem:s1+$0x0]  }
0x2c5: {  	v17 =	vld [tilespmem:s2+$0x10]  }
.Ltmp4:
0x2c6: {  	v19 =	vld [tilespmem:s1+$0x10];
	(pc) =	sbr.rel @p0 .LBB2_10-.Ltmp4, $4  }
0x2c7: {  	v15 =	vld [tilespmem:s1+$0xFFFFFF80]  }
0x2c8: {  	v18 =	vld [tilespmem:s2+$0xFFFFFF80]  }
0x2c9: {  	v20 =	vld [tilespmem:s2+$0xFFFFFF90]  }
0x2ca: {  	s28 =	sadd.s32 $0x1, s28;
	v21 =	vld [tilespmem:s1+$0xFFFFFF90]  }
0x2cb: {  	v22 =	vld [tilespmem:s2+$0xFFFFFFA0]  }
0x2cc: {  	v23 =	vld [tilespmem:s1+$0xFFFFFFA0]  }
0x2cd: {  	v24 =	vld [tilespmem:s2+$0xFFFFFFB0]  }
0x2ce: {  	v14 =	vmul.f32 v16, v14;
	v43 =	vmul.f32 v19, v17;
	v44 =	vld [tilespmem:s1+$0xFFFFFFB0]  }
0x2cf: {  	v46 =	vld [tilespmem:s2+$0xFFFFFFC0];
	v15 =	vmul.f32 v15, v18;
	v45 =	vmul.f32 v21, v20  }
0x2d0: {  	v12 =	vmul.f32 v13, v12;
	v47 =	vld [tilespmem:s1+$0xFFFFFFC0];
	v14 =	vadd.f32 v43, v14  }
0x2d1: {  	v49 =	vld [tilespmem:s2+$0xFFFFFFD0];
	v48 =	vmul.f32 v23, v22;
	v15 =	vadd.f32 v45, v15  }
0x2d2: {  	v10 =	vmul.f32 v11, v10;
	v50 =	vld [tilespmem:s1+$0xFFFFFFD0];
	v12 =	vadd.f32 v12, v14  }
0x2d3: {  	v53 =	vld [tilespmem:s2+$0xFFFFFFE0];
	v52 =	vmul.f32 v44, v24;
	v51 =	vadd.f32 v48, v15  }
0x2d4: {  	v8 =	vmul.f32 v9, v8;
	v54 =	vld [tilespmem:s1+$0xFFFFFFE0];
	v10 =	vadd.f32 v10, v12  }
0x2d5: {  	v56 =	vld [tilespmem:s2+$0xFFFFFFF0];
	v13 =	vmul.f32 v47, v46;
	v55 =	vadd.f32 v52, v51  }
0x2d6: {  	v6 =	vmul.f32 v7, v6;
	v57 =	vld [tilespmem:s1+$0xFFFFFFF0];
	v8 =	vadd.f32 v8, v10  }
0x2d7: {  	v11 =	vmul.f32 v50, v49;
	v58 =	vadd.f32 v13, v55  }
0x2d8: {  	v4 =	vmul.f32 v5, v4;
	v6 =	vadd.f32 v6, v8  }
0x2d9: {  	v60 =	vmul.f32 v54, v53;
	v59 =	vadd.f32 v11, v58  }
0x2da: {  	v2 =	vmul.f32 v3, v2;
	v4 =	vadd.f32 v4, v6  }
0x2db: {  	v61 =	vmul.f32 v57, v56;
	v3 =	vadd.f32 v60, v59  }
0x2dc: {  	v2 =	vadd.f32 v2, v4  }
0x2dd: {  	v3 =	vadd.f32 v61, v3  }
0x2de: {  	(xrf2) =	vadd.scan.msk.f32 $0xffff, v2  }
0x2df: {  	(xrf2) =	vadd.scan.msk.f32 $0xffff, v3;
	_ =	sdelay $0x8  }
0x2e0: {  	s28 =	sand.u32 $0x7, s3;
	v2, _, _ =	vpop (xrf2)  }
0x2e1: {  	s30 =	sshll.u32 s28, $0x1;
	v3, _, _ =	vpop (xrf2)  }
0x2e2: {  	s1 =	sshllo.u32 s28, $0x1;
	v62 =	vmov s30;
	v3 =	vbroadcast v3, $0xF  }
0x2e3: {  	s0 =	sadd.s32 $0x8, s0;
	v63 =	vmov s1;
	vm0 =	veq.s32 v62, v0;
	v2 =	vbroadcast v2, $0xF  }
0x2e4: {  	s0 =	sand.u32 $0xC0, s0;
	vm15 =	veq.s32 v63, v0;
	v1 =	vsel vm0, v3, v1  }
0x2e5: {  	s0 =	sshrl.u32 s0, $0x2;
	v1 =	vsel vm15, v2, v1  }
0x2e6: {  	[tilespmem:s0+$0x105C0] =	vst v1  }
0x2e7: {  	_ =	swait.ge [sflag:s23], $0x2000  }
0x2e8: {  	[sflag:s23] =	ssyncset.done $0x0  }
0x2e9: {  	s13 =	simm.s32 $0x8400;
	s3 =	rddreg [dreg:$0x14];
	[sflag:s23] =	ssyncadd.s32 $0xFFFFE000  }
0x2ea: {  	[hbm4b:s3+s12] =	stream.linear.scatter [tilespmem:s13], [sflag:$0xD], $0x2000, $0x38;
	[tilespmem:$0x10600] =	vst v63  }
0x2eb: {  	_ =	swait.ge [sflag:s25], $0x2000  }
0x2ec: {  	[sflag:s25] =	ssyncset.done $0x0  }
0x2ed: {  	s4 =	rddreg [dreg:$0x15];
	[sflag:s25] =	ssyncadd.s32 $0xFFFFE000  }
0x2ee: {  	[hbm4b:s4+s12] =	stream.linear.scatter [tilespmem:s29], [sflag:$0xE], $0x2000, $0x38;
	[tilespmem:$0x10600] =	vst v63  }
0x2ef: {  	_ =	swait.ge [sflag:s17], $0x2000  }
0x2f0: {  	[sflag:s17] =	ssyncset.done $0x0  }
0x2f1: {  	[sflag:s17] =	ssyncadd.s32 $0xFFFFE000  }
0x2f2: {  	_ =	swait.ge [sflag:s18], $0x2000  }
0x2f3: {  	[sflag:s18] =	ssyncset.done $0x0  }
0x2f4: {  	[sflag:s18] =	ssyncadd.s32 $0xFFFFE000  }
0x2f5: {  	_ =	swait.ge [sflag:s19], $0x2000  }
0x2f6: {  	[sflag:s19] =	ssyncset.done $0x0  }
0x2f7: {  	[sflag:s19] =	ssyncadd.s32 $0xFFFFE000  }
0x2f8: {  	_ =	swait.ge [sflag:s20], $0x2000  }
0x2f9: {  	[sflag:s20] =	ssyncset.done $0x0  }
0x2fa: {  	[sflag:s20] =	ssyncadd.s32 $0xFFFFE000  }
0x2fb: {  	_ =	swait.ge [sflag:s24], $0x2000  }
0x2fc: {  	[sflag:s24] =	ssyncset.done $0x0  }
0x2fd: {  	[sflag:s24] =	ssyncadd.s32 $0xFFFFE000  }
0x2fe: {  	_ =	swait.ge [sflag:s5], $0x2000  }
0x2ff: {  	[sflag:s5] =	ssyncset.done $0x0  }
0x300: {  	[sflag:s5] =	ssyncadd.s32 $0xFFFFE000  }
0x301: {  	_ =	swait.ge [sflag:s6], $0x2000  }
0x302: {  	[sflag:s6] =	ssyncset.done $0x0  }
0x303: {  	[sflag:s6] =	ssyncadd.s32 $0xFFFFE000  }
0x304: {  	_ =	swait.ge [sflag:s7], $0x2000  }
0x305: {  	s10 =	simm.s32 $0x10400;
	[sflag:s7] =	ssyncset.done $0x0  }
0x306: {  	s1 =	simm.s32 $0x11;
	s8 =	rddreg [dreg:$0x16];
	[sflag:s7] =	ssyncadd.s32 $0xFFFFE000  }
0x307: {  	[hbm4b:s8+s12] =	stream.linear.scatter [tilespmem:s10], [sflag:$0x11], $0x200, $0x38;
	[tilespmem:$0x10600] =	vst v63  }
0x308: {  	_ =	swait.ge [sflag:s1], $0x200  }
0x309: {  	s28 =	rddreg [dreg:$0x18]  }
0x30a: {  	s30 =	rddreg [dreg:$0x17];
	s2 =	sadd.s32 $0x1, s28  }
0x30b: {  	p0 =	sne.s32 s2, s30  }
.Ltmp5:
0x30c: {  	_ = 	snop;
	(pc) =	sbr.rel @p0 .LBB2_1-.Ltmp5, $3  }
0x30d: {  	_ =	sdelay $0x1  }
0x30e: {  	[sflag:s1] =	ssyncset.done $0x0  }
0x30f: {  	s4 =	simm.s32 $0x400;
	s8 =	simm.s32 $0x2400;
	[sflag:s1] =	ssyncadd.s32 $0xFFFFFE00  }
0x310: {  	_ =	sfence.sel $0x180000  }
0x311: {  	[bflag:$0x0] =	sbarrier.arrive $0xFFFF  }
0x312: {  	_ =	strace $0x90000047  }
0x313: {  	s0 =	stileid.u32;
	[bflag:$0x2] =	sbarrier.arrive $0xFFFF  }
0x314: {  	p0 =	sne.s32 s0, $0x0;
	s0 =	rddreg [dreg:$0xb]  }
0x315: {  	s0 =	sadd.s32 @!p0 $0x100000, s0  }
0x316: {  	[sflag:s0] =	ssyncadd.tile.s32 @!p0 $0x1;
	_ =	shalt  }
.Lfunc_end2:
_tile_overlayer_lowered:
.L_overlay_start_2:
0x317: {  	(tag) =	ssettag $0x2  }
0x318: {  	s0 =	rddreg [dreg:$0x0];
	s2 =	stileid.u32  }
0x319: {  	s1 =	rddreg [dreg:$0x1];
	p0 =	sne.s32 s2, $0x0  }
0x31a: {  	s3 =	rddreg [dreg:$0x2];
	[bflag:$0x3] =	sbarrier.arrive $0xFFFF;
	s2 =	simm.s32 @!p0 $0x1C11  }
0x31b: {  	[timem:s3], [sflag:s2] =	dma.local @!p0 [hbm:s0], s1  }
0x31c: {  	s0 =	simm.s32 @!p0 $0x11  }
0x31d: {  	_ =	swait.ge @!p0 [sflag:s0], s1  }
0x31e: {  	s1 =	ssub.s32 @!p0 $0x0, s1;
	[sflag:s0] =	ssyncset.done @!p0 $0x0  }
0x31f: {  	[sflag:s0] =	ssyncadd.s32 @!p0 s1  }
0x320: {  	[bflag:$0x3] =	sbarrier.arrive $0xFFFF  }
0x321: {  	_ =	shalt  }

</sc_bundles>
